<compile_context>
chip_gen: v7x
topology: tpu7x:2x2x1
jax: 0.10.2.dev20260603
libtpu: 0.0.44.dev20260713+nightly
codegen_flags: <defaults>
</compile_context>

<pallas_src>
import functools

import jax
import jax.numpy as jnp
from jax import lax
from jax.experimental import pallas as pl
from jax.experimental.pallas import tpu as pltpu
from jax.experimental.pallas import tpu_sc as plsc

NC = 2
NS = 16
NW = NC * NS
LN = 16
BM = 512
SUP = 32
KPT = 4


def _make_deg_kernel(NP, RA):
    mesh = plsc.VectorSubcoreMesh(core_axis_name="c", subcore_axis_name="s",
                                  num_cores=NC, num_subcores=NS)

    @functools.partial(
        pl.kernel, mesh=mesh,
        out_type=jax.ShapeDtypeStruct((NW, 2, NP), jnp.float32),
        scratch_types=[
            pltpu.VMEM((RA, 128), jnp.int32),
            pltpu.VMEM((NP,), jnp.float32),
            pltpu.VMEM((NP,), jnp.float32),
        ],
        compiler_params=pltpu.CompilerParams(needs_layout_passes=False),
    )
    def deg_kernel(edg_hbm, out_hbm, eidx, dego, degi):
        cid = lax.axis_index("c")
        sid = lax.axis_index("s")
        wid = sid * NC + cid
        pltpu.sync_copy(edg_hbm.at[pl.ds(wid * RA, RA)], eidx)
        zeros16 = jnp.zeros((LN,), jnp.float32)

        @plsc.parallel_loop(0, NP // LN, step=1, unroll=4)
        def zbody(i):
            dego[pl.ds(i * LN, LN)] = zeros16
            degi[pl.ds(i * LN, LN)] = zeros16

        ones16 = jnp.full((LN,), 1.0, jnp.float32)

        @plsc.parallel_loop(0, RA, step=1, unroll=2)
        def ebody(j):
            for g in range(128 // LN):
                ev = eidx[j, pl.ds(g * LN, LN)]
                si = lax.bitwise_and(ev, jnp.int32(0xFFFF))
                di = lax.shift_right_logical(ev, 16)
                plsc.addupdate_scatter(dego, [si], ones16)
                plsc.addupdate_scatter(degi, [di], ones16)

        pltpu.sync_copy(dego, out_hbm.at[wid, 0])
        pltpu.sync_copy(degi, out_hbm.at[wid, 1])

    return deg_kernel


def _make_agg_kernel(NP, NR):
    NSS = NR // SUP
    mesh = plsc.VectorSubcoreMesh(core_axis_name="c", subcore_axis_name="s",
                                  num_cores=NC, num_subcores=NS)

    @functools.partial(
        pl.kernel, mesh=mesh,
        out_type=jax.ShapeDtypeStruct((NW, KPT, NP), jnp.float32),
        scratch_types=[pltpu.VMEM((NP,), jnp.int32)] * (KPT // 2)
        + [pltpu.VMEM((NP,), jnp.float32)] * KPT + [
            pltpu.VMEM((2, SUP, 128), jnp.int32),
            pltpu.SemaphoreType.DMA,
        ],
        compiler_params=pltpu.CompilerParams(needs_layout_passes=False),
    )
    def agg_kernel(hs_hbm, edg_hbm, out_hbm, *rest):
        hcol = rest[:KPT // 2]
        acol = rest[KPT // 2:KPT // 2 + KPT]
        ebuf, esem = rest[KPT // 2 + KPT:]
        cid = lax.axis_index("c")
        sid = lax.axis_index("s")
        wid = sid * NC + cid

        for k in range(KPT // 2):
            pltpu.sync_copy(hs_hbm.at[wid, k], hcol[k])

        zeros16 = jnp.zeros((LN,), jnp.float32)

        @plsc.parallel_loop(0, NP // LN, step=1, unroll=4)
        def zbody(i):
            for k in range(KPT):
                acol[k][pl.ds(i * LN, LN)] = zeros16

        pltpu.sync_copy(edg_hbm.at[pl.ds(0, SUP)], ebuf.at[0])

        def body(g, _):
            gmod = g % 2

            @pl.when(g > 0)
            def _():
                pltpu.make_async_copy(edg_hbm.at[pl.ds(0, SUP)],
                                      ebuf.at[0], esem).wait()

            @pl.when(g < NSS - 1)
            def _():
                off = pl.multiple_of((g + 1) * SUP, SUP)
                pltpu.async_copy(edg_hbm.at[pl.ds(off, SUP)],
                                 ebuf.at[(g + 1) % 2], esem)

            @plsc.parallel_loop(0, SUP * (128 // LN), step=1, unroll=4)
            def gbody(t):
                r = lax.shift_right_logical(t, 3)
                s = pl.ds(lax.shift_left(lax.bitwise_and(t, 7), 4), LN)
                ev = ebuf[gmod, r, s]
                sv = lax.bitwise_and(ev, jnp.int32(0xFFFF))
                dv = lax.shift_right_logical(ev, 16)
                for k in range(KPT // 2):
                    v = plsc.load_gather(hcol[k], [sv])
                    lo = plsc.bitcast(lax.shift_left(v, 16), jnp.float32)
                    hi = plsc.bitcast(
                        lax.bitwise_and(v, jnp.int32(-65536)), jnp.float32)
                    plsc.addupdate_scatter(acol[2 * k], [dv], lo)
                    plsc.addupdate_scatter(acol[2 * k + 1], [dv], hi)
            return 0
        lax.fori_loop(0, NSS, body, 0)

        for k in range(KPT):
            pltpu.sync_copy(acol[k], out_hbm.at[wid, k])

    return agg_kernel


def _norms_from_parts(dp):
    deg = jnp.sum(dp, axis=0)
    nrm = lax.rsqrt(jnp.maximum(deg, 1.0))
    return nrm[0:1, :], nrm[1:2, :]


def _pack_cols(y, H):
    bits = lax.bitcast_convert_type(y, jnp.int32)
    r16 = lax.shift_right_logical(bits + 0x8000, 16)
    lo = r16[:H // 2]
    hi = r16[H // 2:]
    return lax.bitwise_or(lax.shift_left(hi, 16), lo)


def _mm_scale_body(x_ref, w_ref, dp_ref, o_ref):
    ns, _ = _norms_from_parts(dp_ref[...])
    y = lax.dot_general(w_ref[...], x_ref[...], (((0,), (1,)), ((), ())),
                        preferred_element_type=jnp.float32)
    o_ref[...] = _pack_cols(y * ns, y.shape[0])


def _post_mm_body(a_ref, dp_ref, b_ref, w_ref, o_ref):
    ns, nd = _norms_from_parts(dp_ref[...])
    x = jnp.maximum(a_ref[...] * nd + b_ref[...], 0.0)
    y = lax.dot_general(w_ref[...], x, (((0,), (0,)), ((), ())),
                        preferred_element_type=jnp.float32)
    o_ref[...] = _pack_cols(y * ns, y.shape[0])


def _make_readout_body(NN, NB, H, C):
    def readout_body(a_ref, dp_ref, b_ref, wr_ref, o_ref, acc_ref):
        i = pl.program_id(0)
        _, nd = _norms_from_parts(dp_ref[...])
        x = jnp.maximum(a_ref[...] * nd + b_ref[...], 0.0)
        colid = i * BM + lax.broadcasted_iota(jnp.int32, (H, BM), 1)
        x = jnp.where(colid < NN, x, 0.0)
        s = jnp.sum(x, axis=1, keepdims=True)

        @pl.when(i == 0)
        def _():
            acc_ref[...] = s

        @pl.when(i > 0)
        def _():
            acc_ref[...] = acc_ref[...] + s

        @pl.when(i == NB - 1)
        def _():
            o_ref[...] = lax.dot_general(
                acc_ref[...] / NN, wr_ref[...], (((0,), (0,)), ((), ())),
                preferred_element_type=jnp.float32)
    return readout_body


def kernel(feat, edge_index, W0, b0, W1, b1, Wr):
    NN, D = feat.shape
    E = edge_index.shape[1]
    H = W0.shape[1]
    C = Wr.shape[1]

    NP = -(-(NN + 1) // BM) * BM
    EP = -(-E // (NW * 128 * 16)) * (NW * 128 * 16)
    NR = EP // 128
    RA = NR // NW
    NB = NP // BM

    src = edge_index[0]
    dst = edge_index[1]
    padi = jnp.full((EP - E,), NN, jnp.int32)
    srcp = jnp.concatenate([src, padi])
    dstp = jnp.concatenate([dst, padi])
    edg2d = jnp.bitwise_or(srcp, dstp << 16).reshape(NR, 128)
    feat_p = jnp.pad(feat, ((0, NP - NN), (0, 0)))

    dparts = _make_deg_kernel(NP, RA)(edg2d)

    perm = jnp.asarray(
        [c for w in range(NW)
         for c in (2 * w, 2 * w + H // 2, 2 * w + 1, 2 * w + H // 2 + 1)],
        dtype=jnp.int32)
    W1p = W1[perm, :]
    Wrp = Wr[perm, :]
    b0p = b0[perm]
    b1p = b1[perm]

    colT_spec = pl.BlockSpec((H, BM), lambda i: (0, i))
    pkT_spec = pl.BlockSpec((H // 2, BM), lambda i: (0, i))
    dp_spec = pl.BlockSpec((NW, 2, BM), lambda i: (0, 0, i))
    w_spec = pl.BlockSpec((D, H), lambda i: (0, 0))
    bT_spec = pl.BlockSpec((H, 1), lambda i: (0, 0))

    hs1 = pl.pallas_call(
        _mm_scale_body,
        grid=(NB,),
        in_specs=[pl.BlockSpec((BM, D), lambda i: (i, 0)), w_spec, dp_spec],
        out_specs=pkT_spec,
        out_shape=jax.ShapeDtypeStruct((H // 2, NP), jnp.int32),
    )(feat_p, W0, dparts)

    agg = _make_agg_kernel(NP, NR)
    p1 = agg(hs1.reshape(NW, KPT // 2, NP), edg2d)

    hs2 = pl.pallas_call(
        _post_mm_body,
        grid=(NB,),
        in_specs=[colT_spec, dp_spec, bT_spec, w_spec],
        out_specs=pkT_spec,
        out_shape=jax.ShapeDtypeStruct((H // 2, NP), jnp.int32),
    )(p1.reshape(H, NP), dparts, b0p.reshape(H, 1), W1p)

    p2 = agg(hs2.reshape(NW, KPT // 2, NP), edg2d)

    out = pl.pallas_call(
        _make_readout_body(NN, NB, H, C),
        grid=(NB,),
        in_specs=[colT_spec, dp_spec, bT_spec,
                  pl.BlockSpec((H, C), lambda i: (0, 0))],
        out_specs=pl.BlockSpec((1, C), lambda i: (0, 0)),
        out_shape=jax.ShapeDtypeStruct((1, C), jnp.float32),
        scratch_shapes=[pltpu.VMEM((H, 1), jnp.float32)],
    )(p2.reshape(H, NP), dparts, b1p.reshape(H, 1), Wrp)

    return out

# --- scband reference (transcript-rebuilt; emitter-appended) ---
"""Pipeline reference for scband-graph-classifier-71829033058897 (READ-ONLY COPY).

The authoritative reference and input builder live on the scoring server;
editing this copy changes nothing except your own understanding.
"""

import jax, jax.numpy as jnp
import numpy as np

N = 10000
E = 320000
D = 128
H = 128
C = 10


def _glorot(key, shape):
    fan_in, fan_out = shape[0], shape[1]
    limit = np.sqrt(6.0 / (fan_in + fan_out))
    return jax.random.uniform(key, shape, dtype=jnp.float32, minval=-limit, maxval=limit)


def setup_inputs(seed: int = 0) -> dict:
    key = jax.random.key(seed)
    k1, k2, k3, k4, k5, k6, k7 = jax.random.split(key, 7)
    feat = jax.random.normal(k1, (N, D), dtype=jnp.float32)
    edge_index = jax.random.randint(k2, (2, E), 0, N, dtype=jnp.int32)
    W0 = _glorot(k3, (D, H))
    b0 = jnp.zeros((H,), dtype=jnp.float32)
    W1 = _glorot(k4, (H, H))
    b1 = jnp.zeros((H,), dtype=jnp.float32)
    Wr = _glorot(k5, (H, C))
    return {"feat": feat, "edge_index": edge_index, "W0": W0, "b0": b0,
            "W1": W1, "b1": b1, "Wr": Wr}


def _gcn_layer(h, W, b, src, dst):
    # DGL GraphConv with norm='both':
    # h' = D_in^{-1/2} A (D_out^{-1/2} h W) + b
    ones = jnp.ones((E,), dtype=jnp.float32)
    deg_out = jnp.zeros((N,), dtype=jnp.float32).at[src].add(ones)
    deg_in = jnp.zeros((N,), dtype=jnp.float32).at[dst].add(ones)
    norm_src = jnp.power(jnp.maximum(deg_out, 1.0), -0.5)
    norm_dst = jnp.power(jnp.maximum(deg_in, 1.0), -0.5)
    h = h @ W
    msg = h[src] * norm_src[src][:, None]
    agg = jnp.zeros((N, h.shape[1]), dtype=h.dtype).at[dst].add(msg)
    return agg * norm_dst[:, None] + b


def reference(feat, edge_index, W0, b0, W1, b1, Wr):
    src = edge_index[0]
    dst = edge_index[1]
    h = jax.nn.relu(_gcn_layer(feat, W0, b0, src, dst))
    # dropout is identity in eval mode
    h = jax.nn.relu(_gcn_layer(h, W1, b1, src, dst))
    # Readout: mean over nodes (single graph), then linear
    hg = jnp.mean(h, axis=0, keepdims=True)
    return hg @ Wr

if __name__ == "__main__":
    import jax
    _d = setup_inputs()
    print(jax.jit(kernel)(*tuple(_d.values())))

</pallas_src>

<mosaic_0001>
#map = affine_map<(d0, d1) -> (0, 0, 0)>
#map1 = affine_map<(d0, d1) -> (0, 0)>
module attributes {stable_mosaic.version = 14 : i64} {
  func.func @agg_kernel(%arg0: i32, %arg1: i32, %arg2: memref<32x2x10240xi32, #tpu.memory_space<hbm>>, %arg3: memref<2560x128xi32, #tpu.memory_space<hbm>>, %arg4: memref<32x4x10240xf32, #tpu.memory_space<hbm>>, %arg5: memref<10240xi32, #tpu.memory_space<vmem>>, %arg6: memref<10240xi32, #tpu.memory_space<vmem>>, %arg7: memref<10240xf32, #tpu.memory_space<vmem>>, %arg8: memref<10240xf32, #tpu.memory_space<vmem>>, %arg9: memref<10240xf32, #tpu.memory_space<vmem>>, %arg10: memref<10240xf32, #tpu.memory_space<vmem>>, %arg11: memref<2x32x128xi32, #tpu.memory_space<vmem>>, %arg12: memref<!tpu.dma_semaphore, #tpu.memory_space<semaphore_mem>>) attributes {dimension_semantics = [#tpu.dimension_semantics<core_parallel>, #tpu.dimension_semantics<subcore_parallel>], iteration_bounds = array<i64: 2, 16>, scalar_prefetch = 0 : i64, scratch_operands = 8 : i64, tpu.core_type = #tpu.core_type<sc_vector_subcore>, window_params = [{transform_indices = #map}, {transform_indices = #map1}, {transform_indices = #map}]} {
    %mul3A = arith.constant 2 : i32
    %mul3A_0 = arith.muli %arg1, %mul3A : i32
    %add3A = arith.addi %mul3A_0, %arg0 : i32
    %run_scoped3A = arith.constant 0 : i32
    "tpu.region"() ({
      %run_scoped3A_16 = tpu.sem_alloc : memref<!tpu.dma_semaphore, #tpu.memory_space<semaphore_mem>>
      %dma_start3A = arith.constant 0 : i32
      %dma_start3A_17 = tpu.memref_slice %arg2[%add3A, %run_scoped3A, %dma_start3A] : memref<32x2x10240xi32, #tpu.memory_space<hbm>> -> memref<1x1x10240xi32, #tpu.memory_space<hbm>>
      %dma_start3A_18 = tpu.memref_squeeze %dma_start3A_17 : memref<1x1x10240xi32, #tpu.memory_space<hbm>> -> memref<10240xi32, #tpu.memory_space<hbm>>
      %dma_start3A_19 = arith.constant 0 : i32
      %dma_start3A_20 = tpu.memref_slice %arg2[%add3A, %run_scoped3A, %dma_start3A_19] : memref<32x2x10240xi32, #tpu.memory_space<hbm>> -> memref<1x1x10240xi32, #tpu.memory_space<hbm>>
      %dma_start3A_21 = tpu.memref_squeeze %dma_start3A_20 : memref<1x1x10240xi32, #tpu.memory_space<hbm>> -> memref<10240xi32, #tpu.memory_space<hbm>>
      tpu.enqueue_dma source(%dma_start3A_21 : memref<10240xi32, #tpu.memory_space<hbm>>) target(%arg5 : memref<10240xi32, #tpu.memory_space<vmem>>) target_semaphore(%run_scoped3A_16 : memref<!tpu.dma_semaphore, #tpu.memory_space<semaphore_mem>>)
      %dma_wait3A = arith.constant 0 : i32
      %dma_wait3A_22 = tpu.memref_slice %arg2[%add3A, %run_scoped3A, %dma_wait3A] : memref<32x2x10240xi32, #tpu.memory_space<hbm>> -> memref<1x1x10240xi32, #tpu.memory_space<hbm>>
      %dma_wait3A_23 = tpu.memref_squeeze %dma_wait3A_22 : memref<1x1x10240xi32, #tpu.memory_space<hbm>> -> memref<10240xi32, #tpu.memory_space<hbm>>
      %dma_wait3A_24 = arith.constant 0 : i32
      %dma_wait3A_25 = tpu.memref_slice %arg2[%add3A, %run_scoped3A, %dma_wait3A_24] : memref<32x2x10240xi32, #tpu.memory_space<hbm>> -> memref<1x1x10240xi32, #tpu.memory_space<hbm>>
      %dma_wait3A_26 = tpu.memref_squeeze %dma_wait3A_25 : memref<1x1x10240xi32, #tpu.memory_space<hbm>> -> memref<10240xi32, #tpu.memory_space<hbm>>
      tpu.wait_dma2 semaphore(%run_scoped3A_16 : memref<!tpu.dma_semaphore, #tpu.memory_space<semaphore_mem>>) src(%dma_wait3A_26 : memref<10240xi32, #tpu.memory_space<hbm>>) dst(%arg5 : memref<10240xi32, #tpu.memory_space<vmem>>)
      tpu.yield
    }) : () -> ()
    %run_scoped3A_1 = arith.constant 1 : i32
    "tpu.region"() ({
      %run_scoped3A_16 = tpu.sem_alloc : memref<!tpu.dma_semaphore, #tpu.memory_space<semaphore_mem>>
      %dma_start3A = arith.constant 0 : i32
      %dma_start3A_17 = tpu.memref_slice %arg2[%add3A, %run_scoped3A_1, %dma_start3A] : memref<32x2x10240xi32, #tpu.memory_space<hbm>> -> memref<1x1x10240xi32, #tpu.memory_space<hbm>>
      %dma_start3A_18 = tpu.memref_squeeze %dma_start3A_17 : memref<1x1x10240xi32, #tpu.memory_space<hbm>> -> memref<10240xi32, #tpu.memory_space<hbm>>
      %dma_start3A_19 = arith.constant 0 : i32
      %dma_start3A_20 = tpu.memref_slice %arg2[%add3A, %run_scoped3A_1, %dma_start3A_19] : memref<32x2x10240xi32, #tpu.memory_space<hbm>> -> memref<1x1x10240xi32, #tpu.memory_space<hbm>>
      %dma_start3A_21 = tpu.memref_squeeze %dma_start3A_20 : memref<1x1x10240xi32, #tpu.memory_space<hbm>> -> memref<10240xi32, #tpu.memory_space<hbm>>
      tpu.enqueue_dma source(%dma_start3A_21 : memref<10240xi32, #tpu.memory_space<hbm>>) target(%arg6 : memref<10240xi32, #tpu.memory_space<vmem>>) target_semaphore(%run_scoped3A_16 : memref<!tpu.dma_semaphore, #tpu.memory_space<semaphore_mem>>)
      %dma_wait3A = arith.constant 0 : i32
      %dma_wait3A_22 = tpu.memref_slice %arg2[%add3A, %run_scoped3A_1, %dma_wait3A] : memref<32x2x10240xi32, #tpu.memory_space<hbm>> -> memref<1x1x10240xi32, #tpu.memory_space<hbm>>
      %dma_wait3A_23 = tpu.memref_squeeze %dma_wait3A_22 : memref<1x1x10240xi32, #tpu.memory_space<hbm>> -> memref<10240xi32, #tpu.memory_space<hbm>>
      %dma_wait3A_24 = arith.constant 0 : i32
      %dma_wait3A_25 = tpu.memref_slice %arg2[%add3A, %run_scoped3A_1, %dma_wait3A_24] : memref<32x2x10240xi32, #tpu.memory_space<hbm>> -> memref<1x1x10240xi32, #tpu.memory_space<hbm>>
      %dma_wait3A_26 = tpu.memref_squeeze %dma_wait3A_25 : memref<1x1x10240xi32, #tpu.memory_space<hbm>> -> memref<10240xi32, #tpu.memory_space<hbm>>
      tpu.wait_dma2 semaphore(%run_scoped3A_16 : memref<!tpu.dma_semaphore, #tpu.memory_space<semaphore_mem>>) src(%dma_wait3A_26 : memref<10240xi32, #tpu.memory_space<hbm>>) dst(%arg6 : memref<10240xi32, #tpu.memory_space<vmem>>)
      tpu.yield
    }) : () -> ()
    %broadcast_in_dim3A = arith.constant 0.000000e+00 : f32
    %broadcast_in_dim3A_2 = vector.broadcast %broadcast_in_dim3A : f32 to vector<16xf32>
    %parallel_loop3A = arith.constant 0 : i32
    %parallel_loop3A_3 = arith.constant 640 : i32
    %parallel_loop3A_4 = arith.constant 1 : i32
    scf.for %parallel_loop3A_16 = %parallel_loop3A to %parallel_loop3A_3 step %parallel_loop3A_4  : i32 {
      %parallel_loop3A_17 = arith.constant 16 : i32
      %parallel_loop3A_18 = arith.muli %parallel_loop3A_16, %parallel_loop3A_17 : i32
      %parallel_loop3A_19 = arith.index_cast %parallel_loop3A_18 : i32 to index
      %parallel_loop3A_20 = tpu.vector_load %arg7[%parallel_loop3A_19] {strides = array<i32>} : memref<10240xf32, #tpu.memory_space<vmem>>, vector<16xf32>,
      tpu.vector_store %arg7[%parallel_loop3A_19], %broadcast_in_dim3A_2 {strides = array<i32>} : memref<10240xf32, #tpu.memory_space<vmem>>, vector<16xf32>,
      %parallel_loop3A_21 = arith.constant 16 : i32
      %parallel_loop3A_22 = arith.muli %parallel_loop3A_16, %parallel_loop3A_21 : i32
      %parallel_loop3A_23 = arith.index_cast %parallel_loop3A_22 : i32 to index
      %parallel_loop3A_24 = tpu.vector_load %arg8[%parallel_loop3A_23] {strides = array<i32>} : memref<10240xf32, #tpu.memory_space<vmem>>, vector<16xf32>,
      tpu.vector_store %arg8[%parallel_loop3A_23], %broadcast_in_dim3A_2 {strides = array<i32>} : memref<10240xf32, #tpu.memory_space<vmem>>, vector<16xf32>,
      %parallel_loop3A_25 = arith.constant 16 : i32
      %parallel_loop3A_26 = arith.muli %parallel_loop3A_16, %parallel_loop3A_25 : i32
      %parallel_loop3A_27 = arith.index_cast %parallel_loop3A_26 : i32 to index
      %parallel_loop3A_28 = tpu.vector_load %arg9[%parallel_loop3A_27] {strides = array<i32>} : memref<10240xf32, #tpu.memory_space<vmem>>, vector<16xf32>,
      tpu.vector_store %arg9[%parallel_loop3A_27], %broadcast_in_dim3A_2 {strides = array<i32>} : memref<10240xf32, #tpu.memory_space<vmem>>, vector<16xf32>,
      %parallel_loop3A_29 = arith.constant 16 : i32
      %parallel_loop3A_30 = arith.muli %parallel_loop3A_16, %parallel_loop3A_29 : i32
      %parallel_loop3A_31 = arith.index_cast %parallel_loop3A_30 : i32 to index
      %parallel_loop3A_32 = tpu.vector_load %arg10[%parallel_loop3A_31] {strides = array<i32>} : memref<10240xf32, #tpu.memory_space<vmem>>, vector<16xf32>,
      tpu.vector_store %arg10[%parallel_loop3A_31], %broadcast_in_dim3A_2 {strides = array<i32>} : memref<10240xf32, #tpu.memory_space<vmem>>, vector<16xf32>,
    } {sc.loop_unroll_factor = 4 : i64, sc.parallel_access}
    %run_scoped3A_5 = arith.constant 0 : i32
    "tpu.region"() ({
      %run_scoped3A_16 = tpu.sem_alloc : memref<!tpu.dma_semaphore, #tpu.memory_space<semaphore_mem>>
      %dma_start3A = arith.constant 0 : i32
      %dma_start3A_17 = arith.constant 0 : i32
      %dma_start3A_18 = tpu.memref_slice %arg11[%run_scoped3A_5, %dma_start3A, %dma_start3A_17] : memref<2x32x128xi32, #tpu.memory_space<vmem>> -> memref<1x32x128xi32, #tpu.memory_space<vmem>>
      %dma_start3A_19 = tpu.memref_squeeze %dma_start3A_18 : memref<1x32x128xi32, #tpu.memory_space<vmem>> -> memref<32x128xi32, #tpu.memory_space<vmem>>
      %dma_start3A_20 = arith.constant 0 : i32
      %dma_start3A_21 = arith.constant 0 : i32
      %dma_start3A_22 = tpu.memref_slice %arg3[%dma_start3A_20, %dma_start3A_21] : memref<2560x128xi32, #tpu.memory_space<hbm>> -> memref<32x128xi32, #tpu.memory_space<hbm>>
      %dma_start3A_23 = arith.constant 0 : i32
      %dma_start3A_24 = arith.constant 0 : i32
      %dma_start3A_25 = tpu.memref_slice %arg11[%run_scoped3A_5, %dma_start3A_23, %dma_start3A_24] : memref<2x32x128xi32, #tpu.memory_space<vmem>> -> memref<1x32x128xi32, #tpu.memory_space<vmem>>
      %dma_start3A_26 = tpu.memref_squeeze %dma_start3A_25 : memref<1x32x128xi32, #tpu.memory_space<vmem>> -> memref<32x128xi32, #tpu.memory_space<vmem>>
      %dma_start3A_27 = arith.constant 0 : i32
      %dma_start3A_28 = arith.constant 0 : i32
      %dma_start3A_29 = tpu.memref_slice %arg3[%dma_start3A_27, %dma_start3A_28] : memref<2560x128xi32, #tpu.memory_space<hbm>> -> memref<32x128xi32, #tpu.memory_space<hbm>>
      tpu.enqueue_dma source(%dma_start3A_29 : memref<32x128xi32, #tpu.memory_space<hbm>>) target(%dma_start3A_26 : memref<32x128xi32, #tpu.memory_space<vmem>>) target_semaphore(%run_scoped3A_16 : memref<!tpu.dma_semaphore, #tpu.memory_space<semaphore_mem>>)
      %dma_wait3A = arith.constant 0 : i32
      %dma_wait3A_30 = arith.constant 0 : i32
      %dma_wait3A_31 = tpu.memref_slice %arg11[%run_scoped3A_5, %dma_wait3A, %dma_wait3A_30] : memref<2x32x128xi32, #tpu.memory_space<vmem>> -> memref<1x32x128xi32, #tpu.memory_space<vmem>>
      %dma_wait3A_32 = tpu.memref_squeeze %dma_wait3A_31 : memref<1x32x128xi32, #tpu.memory_space<vmem>> -> memref<32x128xi32, #tpu.memory_space<vmem>>
      %dma_wait3A_33 = arith.constant 0 : i32
      %dma_wait3A_34 = arith.constant 0 : i32
      %dma_wait3A_35 = tpu.memref_slice %arg3[%dma_wait3A_33, %dma_wait3A_34] : memref<2560x128xi32, #tpu.memory_space<hbm>> -> memref<32x128xi32, #tpu.memory_space<hbm>>
      %dma_wait3A_36 = arith.constant 0 : i32
      %dma_wait3A_37 = arith.constant 0 : i32
      %dma_wait3A_38 = tpu.memref_slice %arg11[%run_scoped3A_5, %dma_wait3A_36, %dma_wait3A_37] : memref<2x32x128xi32, #tpu.memory_space<vmem>> -> memref<1x32x128xi32, #tpu.memory_space<vmem>>
      %dma_wait3A_39 = tpu.memref_squeeze %dma_wait3A_38 : memref<1x32x128xi32, #tpu.memory_space<vmem>> -> memref<32x128xi32, #tpu.memory_space<vmem>>
      %dma_wait3A_40 = arith.constant 0 : i32
      %dma_wait3A_41 = arith.constant 0 : i32
      %dma_wait3A_42 = tpu.memref_slice %arg3[%dma_wait3A_40, %dma_wait3A_41] : memref<2560x128xi32, #tpu.memory_space<hbm>> -> memref<32x128xi32, #tpu.memory_space<hbm>>
      tpu.wait_dma2 semaphore(%run_scoped3A_16 : memref<!tpu.dma_semaphore, #tpu.memory_space<semaphore_mem>>) src(%dma_wait3A_42 : memref<32x128xi32, #tpu.memory_space<hbm>>) dst(%dma_wait3A_39 : memref<32x128xi32, #tpu.memory_space<vmem>>)
      tpu.yield
    }) : () -> ()
    %scan3A = arith.constant 0 : i32
    %scan3A_6 = arith.constant 0 : i32
    %scan3A_7 = arith.constant 80 : i32
    %scan3A_8 = arith.addi %scan3A_6, %scan3A_7 : i32
    %scan3A_9 = arith.constant 1 : i32
    %scan3A_10 = scf.for %scan3A_16 = %scan3A_6 to %scan3A_8 step %scan3A_9 iter_args(%scan3A_17 = %scan3A) -> (i32)  : i32 {
      %jit3A = arith.constant 2 : i32
      %eq3A = arith.constant 0 : i32
      %eq3A_18 = arith.cmpi eq, %jit3A, %eq3A : i32
      %jit3A_19 = arith.constant 1 : i32
      %select_n3A = arith.select %eq3A_18, %jit3A_19, %jit3A : i32
      %rem3A = arith.remsi %scan3A_16, %select_n3A : i32
      %ne3A = arith.constant 0 : i32
      %ne3A_20 = arith.cmpi ne, %rem3A, %ne3A : i32
      %lt3A = arith.constant 0 : i32
      %lt3A_21 = arith.cmpi slt, %rem3A, %lt3A : i32
      %lt3A_22 = arith.constant 0 : i32
      %lt3A_23 = arith.cmpi slt, %select_n3A, %lt3A_22 : i32
      %ne3A_24 = arith.xori %lt3A_21, %lt3A_23 : i1
      %and3A = arith.andi %ne3A_24, %ne3A_20 : i1
      %add3A_25 = arith.addi %rem3A, %select_n3A : i32
      %select_n3A_26 = arith.select %and3A, %add3A_25, %rem3A : i32
      %gt3A = arith.constant 0 : i32
      %gt3A_27 = arith.cmpi sgt, %scan3A_16, %gt3A : i32
      %convert_element_type3A = arith.extui %gt3A_27 : i1 to i32
      %cond3A = arith.constant 0 : i32
      %cond3A_28 = arith.cmpi ne, %convert_element_type3A, %cond3A : i32
      scf.if %cond3A_28 {
        %dma_wait3A = arith.constant 0 : i32
        %dma_wait3A_38 = arith.constant 0 : i32
        %dma_wait3A_39 = arith.constant 0 : i32
        %dma_wait3A_40 = tpu.memref_slice %arg11[%dma_wait3A, %dma_wait3A_38, %dma_wait3A_39] : memref<2x32x128xi32, #tpu.memory_space<vmem>> -> memref<1x32x128xi32, #tpu.memory_space<vmem>>
        %dma_wait3A_41 = tpu.memref_squeeze %dma_wait3A_40 : memref<1x32x128xi32, #tpu.memory_space<vmem>> -> memref<32x128xi32, #tpu.memory_space<vmem>>
        %dma_wait3A_42 = arith.constant 0 : i32
        %dma_wait3A_43 = arith.constant 0 : i32
        %dma_wait3A_44 = tpu.memref_slice %arg3[%dma_wait3A_42, %dma_wait3A_43] : memref<2560x128xi32, #tpu.memory_space<hbm>> -> memref<32x128xi32, #tpu.memory_space<hbm>>
        %dma_wait3A_45 = arith.constant 0 : i32
        %dma_wait3A_46 = arith.constant 0 : i32
        %dma_wait3A_47 = tpu.memref_slice %arg11[%dma_wait3A, %dma_wait3A_45, %dma_wait3A_46] : memref<2x32x128xi32, #tpu.memory_space<vmem>> -> memref<1x32x128xi32, #tpu.memory_space<vmem>>
        %dma_wait3A_48 = tpu.memref_squeeze %dma_wait3A_47 : memref<1x32x128xi32, #tpu.memory_space<vmem>> -> memref<32x128xi32, #tpu.memory_space<vmem>>
        %dma_wait3A_49 = arith.constant 0 : i32
        %dma_wait3A_50 = arith.constant 0 : i32
        %dma_wait3A_51 = tpu.memref_slice %arg3[%dma_wait3A_49, %dma_wait3A_50] : memref<2560x128xi32, #tpu.memory_space<hbm>> -> memref<32x128xi32, #tpu.memory_space<hbm>>
        tpu.wait_dma2 semaphore(%arg12 : memref<!tpu.dma_semaphore, #tpu.memory_space<semaphore_mem>>) src(%dma_wait3A_51 : memref<32x128xi32, #tpu.memory_space<hbm>>) dst(%dma_wait3A_48 : memref<32x128xi32, #tpu.memory_space<vmem>>)
      } else {
      }
      %lt3A_29 = arith.constant 79 : i32
      %lt3A_30 = arith.cmpi slt, %scan3A_16, %lt3A_29 : i32
      %convert_element_type3A_31 = arith.extui %lt3A_30 : i1 to i32
      %cond3A_32 = arith.constant 0 : i32
      %cond3A_33 = arith.cmpi ne, %convert_element_type3A_31, %cond3A_32 : i32
      scf.if %cond3A_33 {
        %add3A_38 = arith.constant 1 : i32
        %add3A_39 = arith.addi %scan3A_16, %add3A_38 : i32
        %mul3A_40 = arith.constant 32 : i32
        %mul3A_41 = arith.muli %add3A_39, %mul3A_40 : i32
        %multiple_of3A = tpu.assume_multiple %mul3A_41, 32 : i32
        %add3A_42 = arith.constant 1 : i32
        %add3A_43 = arith.addi %scan3A_16, %add3A_42 : i32
        %jit3A_44 = arith.constant 2 : i32
        %eq3A_45 = arith.constant 0 : i32
        %eq3A_46 = arith.cmpi eq, %jit3A_44, %eq3A_45 : i32
        %jit3A_47 = arith.constant 1 : i32
        %select_n3A_48 = arith.select %eq3A_46, %jit3A_47, %jit3A_44 : i32
        %rem3A_49 = arith.remsi %add3A_43, %select_n3A_48 : i32
        %ne3A_50 = arith.constant 0 : i32
        %ne3A_51 = arith.cmpi ne, %rem3A_49, %ne3A_50 : i32
        %lt3A_52 = arith.constant 0 : i32
        %lt3A_53 = arith.cmpi slt, %rem3A_49, %lt3A_52 : i32
        %lt3A_54 = arith.constant 0 : i32
        %lt3A_55 = arith.cmpi slt, %select_n3A_48, %lt3A_54 : i32
        %ne3A_56 = arith.xori %lt3A_53, %lt3A_55 : i1
        %and3A_57 = arith.andi %ne3A_56, %ne3A_51 : i1
        %add3A_58 = arith.addi %rem3A_49, %select_n3A_48 : i32
        %select_n3A_59 = arith.select %and3A_57, %add3A_58, %rem3A_49 : i32
        %dma_start3A = arith.constant 0 : i32
        %dma_start3A_60 = arith.constant 0 : i32
        %dma_start3A_61 = tpu.memref_slice %arg11[%select_n3A_59, %dma_start3A, %dma_start3A_60] : memref<2x32x128xi32, #tpu.memory_space<vmem>> -> memref<1x32x128xi32, #tpu.memory_space<vmem>>
        %dma_start3A_62 = tpu.memref_squeeze %dma_start3A_61 : memref<1x32x128xi32, #tpu.memory_space<vmem>> -> memref<32x128xi32, #tpu.memory_space<vmem>>
        %dma_start3A_63 = arith.constant 0 : i32
        %dma_start3A_64 = tpu.memref_slice %arg3[%multiple_of3A, %dma_start3A_63] : memref<2560x128xi32, #tpu.memory_space<hbm>> -> memref<32x128xi32, #tpu.memory_space<hbm>>
        %dma_start3A_65 = arith.constant 0 : i32
        %dma_start3A_66 = arith.constant 0 : i32
        %dma_start3A_67 = tpu.memref_slice %arg11[%select_n3A_59, %dma_start3A_65, %dma_start3A_66] : memref<2x32x128xi32, #tpu.memory_space<vmem>> -> memref<1x32x128xi32, #tpu.memory_space<vmem>>
        %dma_start3A_68 = tpu.memref_squeeze %dma_start3A_67 : memref<1x32x128xi32, #tpu.memory_space<vmem>> -> memref<32x128xi32, #tpu.memory_space<vmem>>
        %dma_start3A_69 = arith.constant 0 : i32
        %dma_start3A_70 = tpu.memref_slice %arg3[%multiple_of3A, %dma_start3A_69] : memref<2560x128xi32, #tpu.memory_space<hbm>> -> memref<32x128xi32, #tpu.memory_space<hbm>>
        tpu.enqueue_dma source(%dma_start3A_70 : memref<32x128xi32, #tpu.memory_space<hbm>>) target(%dma_start3A_68 : memref<32x128xi32, #tpu.memory_space<vmem>>) target_semaphore(%arg12 : memref<!tpu.dma_semaphore, #tpu.memory_space<semaphore_mem>>)
      } else {
      }
      %parallel_loop3A_34 = arith.constant 0 : i32
      %parallel_loop3A_35 = arith.constant 256 : i32
      %parallel_loop3A_36 = arith.constant 1 : i32
      scf.for %parallel_loop3A_38 = %parallel_loop3A_34 to %parallel_loop3A_35 step %parallel_loop3A_36  : i32 {
        %parallel_loop3A_39 = arith.constant 3 : i32
        %parallel_loop3A_40 = arith.shrui %parallel_loop3A_38, %parallel_loop3A_39 : i32
        %parallel_loop3A_41 = arith.constant 7 : i32
        %parallel_loop3A_42 = arith.andi %parallel_loop3A_38, %parallel_loop3A_41 : i32
        %parallel_loop3A_43 = arith.constant 4 : i32
        %parallel_loop3A_44 = arith.shli %parallel_loop3A_42, %parallel_loop3A_43 : i32
        %parallel_loop3A_45 = arith.index_cast %select_n3A_26 : i32 to index
        %parallel_loop3A_46 = arith.index_cast %parallel_loop3A_40 : i32 to index
        %parallel_loop3A_47 = arith.index_cast %parallel_loop3A_44 : i32 to index
        %parallel_loop3A_48 = tpu.vector_load %arg11[%parallel_loop3A_45, %parallel_loop3A_46, %parallel_loop3A_47] {strides = array<i32>} : memref<2x32x128xi32, #tpu.memory_space<vmem>>, vector<16xi32>,
        %parallel_loop3A_49 = arith.constant 65535 : i32
        %parallel_loop3A_50 = vector.broadcast %parallel_loop3A_49 : i32 to vector<16xi32>
        %parallel_loop3A_51 = arith.andi %parallel_loop3A_48, %parallel_loop3A_50 : vector<16xi32>
        %parallel_loop3A_52 = arith.constant 16 : i32
        %parallel_loop3A_53 = vector.broadcast %parallel_loop3A_52 : i32 to vector<16xi32>
        %parallel_loop3A_54 = arith.shrui %parallel_loop3A_48, %parallel_loop3A_53 : vector<16xi32>
        %parallel_loop3A_55 = tpu.vector_load_idx %arg5[%parallel_loop3A_51] : memref<10240xi32, #tpu.memory_space<vmem>>[vector<16xi32>], vector<16xi32>,
        %parallel_loop3A_56 = arith.constant 16 : i32
        %parallel_loop3A_57 = vector.broadcast %parallel_loop3A_56 : i32 to vector<16xi32>
        %parallel_loop3A_58 = arith.shli %parallel_loop3A_55, %parallel_loop3A_57 : vector<16xi32>
        %parallel_loop3A_59 = vector.bitcast %parallel_loop3A_58 : vector<16xi32> to vector<16xf32>
        %parallel_loop3A_60 = arith.constant -65536 : i32
        %parallel_loop3A_61 = vector.broadcast %parallel_loop3A_60 : i32 to vector<16xi32>
        %parallel_loop3A_62 = arith.andi %parallel_loop3A_55, %parallel_loop3A_61 : vector<16xi32>
        %parallel_loop3A_63 = vector.bitcast %parallel_loop3A_62 : vector<16xi32> to vector<16xf32>
        tpu.vector_store_idx %arg7[%parallel_loop3A_54], %parallel_loop3A_59 {add = true} : memref<10240xf32, #tpu.memory_space<vmem>>[vector<16xi32>], vector<16xf32>,
        tpu.vector_store_idx %arg8[%parallel_loop3A_54], %parallel_loop3A_63 {add = true} : memref<10240xf32, #tpu.memory_space<vmem>>[vector<16xi32>], vector<16xf32>,
        %parallel_loop3A_64 = tpu.vector_load_idx %arg6[%parallel_loop3A_51] : memref<10240xi32, #tpu.memory_space<vmem>>[vector<16xi32>], vector<16xi32>,
        %parallel_loop3A_65 = arith.constant 16 : i32
        %parallel_loop3A_66 = vector.broadcast %parallel_loop3A_65 : i32 to vector<16xi32>
        %parallel_loop3A_67 = arith.shli %parallel_loop3A_64, %parallel_loop3A_66 : vector<16xi32>
        %parallel_loop3A_68 = vector.bitcast %parallel_loop3A_67 : vector<16xi32> to vector<16xf32>
        %parallel_loop3A_69 = arith.constant -65536 : i32
        %parallel_loop3A_70 = vector.broadcast %parallel_loop3A_69 : i32 to vector<16xi32>
        %parallel_loop3A_71 = arith.andi %parallel_loop3A_64, %parallel_loop3A_70 : vector<16xi32>
        %parallel_loop3A_72 = vector.bitcast %parallel_loop3A_71 : vector<16xi32> to vector<16xf32>
        tpu.vector_store_idx %arg9[%parallel_loop3A_54], %parallel_loop3A_68 {add = true} : memref<10240xf32, #tpu.memory_space<vmem>>[vector<16xi32>], vector<16xf32>,
        tpu.vector_store_idx %arg10[%parallel_loop3A_54], %parallel_loop3A_72 {add = true} : memref<10240xf32, #tpu.memory_space<vmem>>[vector<16xi32>], vector<16xf32>,
      } {sc.loop_unroll_factor = 4 : i64, sc.parallel_access}
      %scan3A_37 = arith.constant 0 : i32
      scf.yield %scan3A_37 : i32
    }
    %scan3A_11 = arith.constant 80 : i32
    %run_scoped3A_12 = arith.constant 0 : i32
    "tpu.region"() ({
      %run_scoped3A_16 = tpu.sem_alloc : memref<!tpu.dma_semaphore, #tpu.memory_space<semaphore_mem>>
      %dma_start3A = arith.constant 0 : i32
      %dma_start3A_17 = tpu.memref_slice %arg4[%add3A, %run_scoped3A_12, %dma_start3A] : memref<32x4x10240xf32, #tpu.memory_space<hbm>> -> memref<1x1x10240xf32, #tpu.memory_space<hbm>>
      %dma_start3A_18 = tpu.memref_squeeze %dma_start3A_17 : memref<1x1x10240xf32, #tpu.memory_space<hbm>> -> memref<10240xf32, #tpu.memory_space<hbm>>
      %dma_start3A_19 = arith.constant 0 : i32
      %dma_start3A_20 = tpu.memref_slice %arg4[%add3A, %run_scoped3A_12, %dma_start3A_19] : memref<32x4x10240xf32, #tpu.memory_space<hbm>> -> memref<1x1x10240xf32, #tpu.memory_space<hbm>>
      %dma_start3A_21 = tpu.memref_squeeze %dma_start3A_20 : memref<1x1x10240xf32, #tpu.memory_space<hbm>> -> memref<10240xf32, #tpu.memory_space<hbm>>
      tpu.enqueue_dma source(%arg7 : memref<10240xf32, #tpu.memory_space<vmem>>) target(%dma_start3A_21 : memref<10240xf32, #tpu.memory_space<hbm>>) target_semaphore(%run_scoped3A_16 : memref<!tpu.dma_semaphore, #tpu.memory_space<semaphore_mem>>)
      %dma_wait3A = arith.constant 0 : i32
      %dma_wait3A_22 = tpu.memref_slice %arg4[%add3A, %run_scoped3A_12, %dma_wait3A] : memref<32x4x10240xf32, #tpu.memory_space<hbm>> -> memref<1x1x10240xf32, #tpu.memory_space<hbm>>
      %dma_wait3A_23 = tpu.memref_squeeze %dma_wait3A_22 : memref<1x1x10240xf32, #tpu.memory_space<hbm>> -> memref<10240xf32, #tpu.memory_space<hbm>>
      %dma_wait3A_24 = arith.constant 0 : i32
      %dma_wait3A_25 = tpu.memref_slice %arg4[%add3A, %run_scoped3A_12, %dma_wait3A_24] : memref<32x4x10240xf32, #tpu.memory_space<hbm>> -> memref<1x1x10240xf32, #tpu.memory_space<hbm>>
      %dma_wait3A_26 = tpu.memref_squeeze %dma_wait3A_25 : memref<1x1x10240xf32, #tpu.memory_space<hbm>> -> memref<10240xf32, #tpu.memory_space<hbm>>
      tpu.wait_dma2 semaphore(%run_scoped3A_16 : memref<!tpu.dma_semaphore, #tpu.memory_space<semaphore_mem>>) src(%arg7 : memref<10240xf32, #tpu.memory_space<vmem>>) dst(%dma_wait3A_26 : memref<10240xf32, #tpu.memory_space<hbm>>)
      tpu.yield
    }) : () -> ()
    %run_scoped3A_13 = arith.constant 1 : i32
    "tpu.region"() ({
      %run_scoped3A_16 = tpu.sem_alloc : memref<!tpu.dma_semaphore, #tpu.memory_space<semaphore_mem>>
      %dma_start3A = arith.constant 0 : i32
      %dma_start3A_17 = tpu.memref_slice %arg4[%add3A, %run_scoped3A_13, %dma_start3A] : memref<32x4x10240xf32, #tpu.memory_space<hbm>> -> memref<1x1x10240xf32, #tpu.memory_space<hbm>>
      %dma_start3A_18 = tpu.memref_squeeze %dma_start3A_17 : memref<1x1x10240xf32, #tpu.memory_space<hbm>> -> memref<10240xf32, #tpu.memory_space<hbm>>
      %dma_start3A_19 = arith.constant 0 : i32
      %dma_start3A_20 = tpu.memref_slice %arg4[%add3A, %run_scoped3A_13, %dma_start3A_19] : memref<32x4x10240xf32, #tpu.memory_space<hbm>> -> memref<1x1x10240xf32, #tpu.memory_space<hbm>>
      %dma_start3A_21 = tpu.memref_squeeze %dma_start3A_20 : memref<1x1x10240xf32, #tpu.memory_space<hbm>> -> memref<10240xf32, #tpu.memory_space<hbm>>
      tpu.enqueue_dma source(%arg8 : memref<10240xf32, #tpu.memory_space<vmem>>) target(%dma_start3A_21 : memref<10240xf32, #tpu.memory_space<hbm>>) target_semaphore(%run_scoped3A_16 : memref<!tpu.dma_semaphore, #tpu.memory_space<semaphore_mem>>)
      %dma_wait3A = arith.constant 0 : i32
      %dma_wait3A_22 = tpu.memref_slice %arg4[%add3A, %run_scoped3A_13, %dma_wait3A] : memref<32x4x10240xf32, #tpu.memory_space<hbm>> -> memref<1x1x10240xf32, #tpu.memory_space<hbm>>
      %dma_wait3A_23 = tpu.memref_squeeze %dma_wait3A_22 : memref<1x1x10240xf32, #tpu.memory_space<hbm>> -> memref<10240xf32, #tpu.memory_space<hbm>>
      %dma_wait3A_24 = arith.constant 0 : i32
      %dma_wait3A_25 = tpu.memref_slice %arg4[%add3A, %run_scoped3A_13, %dma_wait3A_24] : memref<32x4x10240xf32, #tpu.memory_space<hbm>> -> memref<1x1x10240xf32, #tpu.memory_space<hbm>>
      %dma_wait3A_26 = tpu.memref_squeeze %dma_wait3A_25 : memref<1x1x10240xf32, #tpu.memory_space<hbm>> -> memref<10240xf32, #tpu.memory_space<hbm>>
      tpu.wait_dma2 semaphore(%run_scoped3A_16 : memref<!tpu.dma_semaphore, #tpu.memory_space<semaphore_mem>>) src(%arg8 : memref<10240xf32, #tpu.memory_space<vmem>>) dst(%dma_wait3A_26 : memref<10240xf32, #tpu.memory_space<hbm>>)
      tpu.yield
    }) : () -> ()
    %run_scoped3A_14 = arith.constant 2 : i32
    "tpu.region"() ({
      %run_scoped3A_16 = tpu.sem_alloc : memref<!tpu.dma_semaphore, #tpu.memory_space<semaphore_mem>>
      %dma_start3A = arith.constant 0 : i32
      %dma_start3A_17 = tpu.memref_slice %arg4[%add3A, %run_scoped3A_14, %dma_start3A] : memref<32x4x10240xf32, #tpu.memory_space<hbm>> -> memref<1x1x10240xf32, #tpu.memory_space<hbm>>
      %dma_start3A_18 = tpu.memref_squeeze %dma_start3A_17 : memref<1x1x10240xf32, #tpu.memory_space<hbm>> -> memref<10240xf32, #tpu.memory_space<hbm>>
      %dma_start3A_19 = arith.constant 0 : i32
      %dma_start3A_20 = tpu.memref_slice %arg4[%add3A, %run_scoped3A_14, %dma_start3A_19] : memref<32x4x10240xf32, #tpu.memory_space<hbm>> -> memref<1x1x10240xf32, #tpu.memory_space<hbm>>
      %dma_start3A_21 = tpu.memref_squeeze %dma_start3A_20 : memref<1x1x10240xf32, #tpu.memory_space<hbm>> -> memref<10240xf32, #tpu.memory_space<hbm>>
      tpu.enqueue_dma source(%arg9 : memref<10240xf32, #tpu.memory_space<vmem>>) target(%dma_start3A_21 : memref<10240xf32, #tpu.memory_space<hbm>>) target_semaphore(%run_scoped3A_16 : memref<!tpu.dma_semaphore, #tpu.memory_space<semaphore_mem>>)
      %dma_wait3A = arith.constant 0 : i32
      %dma_wait3A_22 = tpu.memref_slice %arg4[%add3A, %run_scoped3A_14, %dma_wait3A] : memref<32x4x10240xf32, #tpu.memory_space<hbm>> -> memref<1x1x10240xf32, #tpu.memory_space<hbm>>
      %dma_wait3A_23 = tpu.memref_squeeze %dma_wait3A_22 : memref<1x1x10240xf32, #tpu.memory_space<hbm>> -> memref<10240xf32, #tpu.memory_space<hbm>>
      %dma_wait3A_24 = arith.constant 0 : i32
      %dma_wait3A_25 = tpu.memref_slice %arg4[%add3A, %run_scoped3A_14, %dma_wait3A_24] : memref<32x4x10240xf32, #tpu.memory_space<hbm>> -> memref<1x1x10240xf32, #tpu.memory_space<hbm>>
      %dma_wait3A_26 = tpu.memref_squeeze %dma_wait3A_25 : memref<1x1x10240xf32, #tpu.memory_space<hbm>> -> memref<10240xf32, #tpu.memory_space<hbm>>
      tpu.wait_dma2 semaphore(%run_scoped3A_16 : memref<!tpu.dma_semaphore, #tpu.memory_space<semaphore_mem>>) src(%arg9 : memref<10240xf32, #tpu.memory_space<vmem>>) dst(%dma_wait3A_26 : memref<10240xf32, #tpu.memory_space<hbm>>)
      tpu.yield
    }) : () -> ()
    %run_scoped3A_15 = arith.constant 3 : i32
    "tpu.region"() ({
      %run_scoped3A_16 = tpu.sem_alloc : memref<!tpu.dma_semaphore, #tpu.memory_space<semaphore_mem>>
      %dma_start3A = arith.constant 0 : i32
      %dma_start3A_17 = tpu.memref_slice %arg4[%add3A, %run_scoped3A_15, %dma_start3A] : memref<32x4x10240xf32, #tpu.memory_space<hbm>> -> memref<1x1x10240xf32, #tpu.memory_space<hbm>>
      %dma_start3A_18 = tpu.memref_squeeze %dma_start3A_17 : memref<1x1x10240xf32, #tpu.memory_space<hbm>> -> memref<10240xf32, #tpu.memory_space<hbm>>
      %dma_start3A_19 = arith.constant 0 : i32
      %dma_start3A_20 = tpu.memref_slice %arg4[%add3A, %run_scoped3A_15, %dma_start3A_19] : memref<32x4x10240xf32, #tpu.memory_space<hbm>> -> memref<1x1x10240xf32, #tpu.memory_space<hbm>>
      %dma_start3A_21 = tpu.memref_squeeze %dma_start3A_20 : memref<1x1x10240xf32, #tpu.memory_space<hbm>> -> memref<10240xf32, #tpu.memory_space<hbm>>
      tpu.enqueue_dma source(%arg10 : memref<10240xf32, #tpu.memory_space<vmem>>) target(%dma_start3A_21 : memref<10240xf32, #tpu.memory_space<hbm>>) target_semaphore(%run_scoped3A_16 : memref<!tpu.dma_semaphore, #tpu.memory_space<semaphore_mem>>)
      %dma_wait3A = arith.constant 0 : i32
      %dma_wait3A_22 = tpu.memref_slice %arg4[%add3A, %run_scoped3A_15, %dma_wait3A] : memref<32x4x10240xf32, #tpu.memory_space<hbm>> -> memref<1x1x10240xf32, #tpu.memory_space<hbm>>
      %dma_wait3A_23 = tpu.memref_squeeze %dma_wait3A_22 : memref<1x1x10240xf32, #tpu.memory_space<hbm>> -> memref<10240xf32, #tpu.memory_space<hbm>>
      %dma_wait3A_24 = arith.constant 0 : i32
      %dma_wait3A_25 = tpu.memref_slice %arg4[%add3A, %run_scoped3A_15, %dma_wait3A_24] : memref<32x4x10240xf32, #tpu.memory_space<hbm>> -> memref<1x1x10240xf32, #tpu.memory_space<hbm>>
      %dma_wait3A_26 = tpu.memref_squeeze %dma_wait3A_25 : memref<1x1x10240xf32, #tpu.memory_space<hbm>> -> memref<10240xf32, #tpu.memory_space<hbm>>
      tpu.wait_dma2 semaphore(%run_scoped3A_16 : memref<!tpu.dma_semaphore, #tpu.memory_space<semaphore_mem>>) src(%arg10 : memref<10240xf32, #tpu.memory_space<vmem>>) dst(%dma_wait3A_26 : memref<10240xf32, #tpu.memory_space<hbm>>)
      tpu.yield
    }) : () -> ()
    return
  }
}

#map = affine_map<(d0, d1) -> (0, 0)>
#map1 = affine_map<(d0, d1) -> (0, 0, 0)>
module attributes {stable_mosaic.version = 14 : i64} {
  func.func @deg_kernel(%arg0: i32, %arg1: i32, %arg2: memref<2560x128xi32, #tpu.memory_space<hbm>>, %arg3: memref<32x2x10240xf32, #tpu.memory_space<hbm>>, %arg4: memref<80x128xi32, #tpu.memory_space<vmem>>, %arg5: memref<10240xf32, #tpu.memory_space<vmem>>, %arg6: memref<10240xf32, #tpu.memory_space<vmem>>) attributes {dimension_semantics = [#tpu.dimension_semantics<core_parallel>, #tpu.dimension_semantics<subcore_parallel>], iteration_bounds = array<i64: 2, 16>, scalar_prefetch = 0 : i64, scratch_operands = 3 : i64, tpu.core_type = #tpu.core_type<sc_vector_subcore>, window_params = [{transform_indices = #map}, {transform_indices = #map1}]} {
    %mul3A = arith.constant 2 : i32
    %mul3A_0 = arith.muli %arg1, %mul3A : i32
    %add3A = arith.addi %mul3A_0, %arg0 : i32
    %mul3A_1 = arith.constant 80 : i32
    %mul3A_2 = arith.muli %add3A, %mul3A_1 : i32
    "tpu.region"() ({
      %run_scoped3A_12 = tpu.sem_alloc : memref<!tpu.dma_semaphore, #tpu.memory_space<semaphore_mem>>
      %dma_start3A = arith.constant 0 : i32
      %dma_start3A_13 = tpu.memref_slice %arg2[%mul3A_2, %dma_start3A] : memref<2560x128xi32, #tpu.memory_space<hbm>> -> memref<80x128xi32, #tpu.memory_space<hbm>>
      %dma_start3A_14 = arith.constant 0 : i32
      %dma_start3A_15 = tpu.memref_slice %arg2[%mul3A_2, %dma_start3A_14] : memref<2560x128xi32, #tpu.memory_space<hbm>> -> memref<80x128xi32, #tpu.memory_space<hbm>>
      tpu.enqueue_dma source(%dma_start3A_15 : memref<80x128xi32, #tpu.memory_space<hbm>>) target(%arg4 : memref<80x128xi32, #tpu.memory_space<vmem>>) target_semaphore(%run_scoped3A_12 : memref<!tpu.dma_semaphore, #tpu.memory_space<semaphore_mem>>)
      %dma_wait3A = arith.constant 0 : i32
      %dma_wait3A_16 = tpu.memref_slice %arg2[%mul3A_2, %dma_wait3A] : memref<2560x128xi32, #tpu.memory_space<hbm>> -> memref<80x128xi32, #tpu.memory_space<hbm>>
      %dma_wait3A_17 = arith.constant 0 : i32
      %dma_wait3A_18 = tpu.memref_slice %arg2[%mul3A_2, %dma_wait3A_17] : memref<2560x128xi32, #tpu.memory_space<hbm>> -> memref<80x128xi32, #tpu.memory_space<hbm>>
      tpu.wait_dma2 semaphore(%run_scoped3A_12 : memref<!tpu.dma_semaphore, #tpu.memory_space<semaphore_mem>>) src(%dma_wait3A_18 : memref<80x128xi32, #tpu.memory_space<hbm>>) dst(%arg4 : memref<80x128xi32, #tpu.memory_space<vmem>>)
      tpu.yield
    }) : () -> ()
    %broadcast_in_dim3A = arith.constant 0.000000e+00 : f32
    %broadcast_in_dim3A_3 = vector.broadcast %broadcast_in_dim3A : f32 to vector<16xf32>
    %parallel_loop3A = arith.constant 0 : i32
    %parallel_loop3A_4 = arith.constant 640 : i32
    %parallel_loop3A_5 = arith.constant 1 : i32
    scf.for %parallel_loop3A_12 = %parallel_loop3A to %parallel_loop3A_4 step %parallel_loop3A_5  : i32 {
      %parallel_loop3A_13 = arith.constant 16 : i32
      %parallel_loop3A_14 = arith.muli %parallel_loop3A_12, %parallel_loop3A_13 : i32
      %parallel_loop3A_15 = arith.index_cast %parallel_loop3A_14 : i32 to index
      %parallel_loop3A_16 = tpu.vector_load %arg5[%parallel_loop3A_15] {strides = array<i32>} : memref<10240xf32, #tpu.memory_space<vmem>>, vector<16xf32>,
      tpu.vector_store %arg5[%parallel_loop3A_15], %broadcast_in_dim3A_3 {strides = array<i32>} : memref<10240xf32, #tpu.memory_space<vmem>>, vector<16xf32>,
      %parallel_loop3A_17 = arith.constant 16 : i32
      %parallel_loop3A_18 = arith.muli %parallel_loop3A_12, %parallel_loop3A_17 : i32
      %parallel_loop3A_19 = arith.index_cast %parallel_loop3A_18 : i32 to index
      %parallel_loop3A_20 = tpu.vector_load %arg6[%parallel_loop3A_19] {strides = array<i32>} : memref<10240xf32, #tpu.memory_space<vmem>>, vector<16xf32>,
      tpu.vector_store %arg6[%parallel_loop3A_19], %broadcast_in_dim3A_3 {strides = array<i32>} : memref<10240xf32, #tpu.memory_space<vmem>>, vector<16xf32>,
    } {sc.loop_unroll_factor = 4 : i64, sc.parallel_access}
    %broadcast_in_dim3A_6 = arith.constant 1.000000e+00 : f32
    %broadcast_in_dim3A_7 = vector.broadcast %broadcast_in_dim3A_6 : f32 to vector<16xf32>
    %parallel_loop3A_8 = arith.constant 0 : i32
    %parallel_loop3A_9 = arith.constant 80 : i32
    %parallel_loop3A_10 = arith.constant 1 : i32
    scf.for %parallel_loop3A_12 = %parallel_loop3A_8 to %parallel_loop3A_9 step %parallel_loop3A_10  : i32 {
      %parallel_loop3A_13 = arith.index_cast %parallel_loop3A_12 : i32 to index
      %parallel_loop3A_14 = arith.constant 0 : index
      %parallel_loop3A_15 = tpu.vector_load %arg4[%parallel_loop3A_13, %parallel_loop3A_14] {strides = array<i32>} : memref<80x128xi32, #tpu.memory_space<vmem>>, vector<16xi32>,
      %parallel_loop3A_16 = arith.constant 65535 : i32
      %parallel_loop3A_17 = vector.broadcast %parallel_loop3A_16 : i32 to vector<16xi32>
      %parallel_loop3A_18 = arith.andi %parallel_loop3A_15, %parallel_loop3A_17 : vector<16xi32>
      %parallel_loop3A_19 = arith.constant 16 : i32
      %parallel_loop3A_20 = vector.broadcast %parallel_loop3A_19 : i32 to vector<16xi32>
      %parallel_loop3A_21 = arith.shrui %parallel_loop3A_15, %parallel_loop3A_20 : vector<16xi32>
      tpu.vector_store_idx %arg5[%parallel_loop3A_18], %broadcast_in_dim3A_7 {add = true} : memref<10240xf32, #tpu.memory_space<vmem>>[vector<16xi32>], vector<16xf32>,
      tpu.vector_store_idx %arg6[%parallel_loop3A_21], %broadcast_in_dim3A_7 {add = true} : memref<10240xf32, #tpu.memory_space<vmem>>[vector<16xi32>], vector<16xf32>,
      %parallel_loop3A_22 = arith.index_cast %parallel_loop3A_12 : i32 to index
      %parallel_loop3A_23 = arith.constant 16 : index
      %parallel_loop3A_24 = tpu.vector_load %arg4[%parallel_loop3A_22, %parallel_loop3A_23] {strides = array<i32>} : memref<80x128xi32, #tpu.memory_space<vmem>>, vector<16xi32>,
      %parallel_loop3A_25 = arith.constant 65535 : i32
      %parallel_loop3A_26 = vector.broadcast %parallel_loop3A_25 : i32 to vector<16xi32>
      %parallel_loop3A_27 = arith.andi %parallel_loop3A_24, %parallel_loop3A_26 : vector<16xi32>
      %parallel_loop3A_28 = arith.constant 16 : i32
      %parallel_loop3A_29 = vector.broadcast %parallel_loop3A_28 : i32 to vector<16xi32>
      %parallel_loop3A_30 = arith.shrui %parallel_loop3A_24, %parallel_loop3A_29 : vector<16xi32>
      tpu.vector_store_idx %arg5[%parallel_loop3A_27], %broadcast_in_dim3A_7 {add = true} : memref<10240xf32, #tpu.memory_space<vmem>>[vector<16xi32>], vector<16xf32>,
      tpu.vector_store_idx %arg6[%parallel_loop3A_30], %broadcast_in_dim3A_7 {add = true} : memref<10240xf32, #tpu.memory_space<vmem>>[vector<16xi32>], vector<16xf32>,
      %parallel_loop3A_31 = arith.index_cast %parallel_loop3A_12 : i32 to index
      %parallel_loop3A_32 = arith.constant 32 : index
      %parallel_loop3A_33 = tpu.vector_load %arg4[%parallel_loop3A_31, %parallel_loop3A_32] {strides = array<i32>} : memref<80x128xi32, #tpu.memory_space<vmem>>, vector<16xi32>,
      %parallel_loop3A_34 = arith.constant 65535 : i32
      %parallel_loop3A_35 = vector.broadcast %parallel_loop3A_34 : i32 to vector<16xi32>
      %parallel_loop3A_36 = arith.andi %parallel_loop3A_33, %parallel_loop3A_35 : vector<16xi32>
      %parallel_loop3A_37 = arith.constant 16 : i32
      %parallel_loop3A_38 = vector.broadcast %parallel_loop3A_37 : i32 to vector<16xi32>
      %parallel_loop3A_39 = arith.shrui %parallel_loop3A_33, %parallel_loop3A_38 : vector<16xi32>
      tpu.vector_store_idx %arg5[%parallel_loop3A_36], %broadcast_in_dim3A_7 {add = true} : memref<10240xf32, #tpu.memory_space<vmem>>[vector<16xi32>], vector<16xf32>,
      tpu.vector_store_idx %arg6[%parallel_loop3A_39], %broadcast_in_dim3A_7 {add = true} : memref<10240xf32, #tpu.memory_space<vmem>>[vector<16xi32>], vector<16xf32>,
      %parallel_loop3A_40 = arith.index_cast %parallel_loop3A_12 : i32 to index
      %parallel_loop3A_41 = arith.constant 48 : index
      %parallel_loop3A_42 = tpu.vector_load %arg4[%parallel_loop3A_40, %parallel_loop3A_41] {strides = array<i32>} : memref<80x128xi32, #tpu.memory_space<vmem>>, vector<16xi32>,
      %parallel_loop3A_43 = arith.constant 65535 : i32
      %parallel_loop3A_44 = vector.broadcast %parallel_loop3A_43 : i32 to vector<16xi32>
      %parallel_loop3A_45 = arith.andi %parallel_loop3A_42, %parallel_loop3A_44 : vector<16xi32>
      %parallel_loop3A_46 = arith.constant 16 : i32
      %parallel_loop3A_47 = vector.broadcast %parallel_loop3A_46 : i32 to vector<16xi32>
      %parallel_loop3A_48 = arith.shrui %parallel_loop3A_42, %parallel_loop3A_47 : vector<16xi32>
      tpu.vector_store_idx %arg5[%parallel_loop3A_45], %broadcast_in_dim3A_7 {add = true} : memref<10240xf32, #tpu.memory_space<vmem>>[vector<16xi32>], vector<16xf32>,
      tpu.vector_store_idx %arg6[%parallel_loop3A_48], %broadcast_in_dim3A_7 {add = true} : memref<10240xf32, #tpu.memory_space<vmem>>[vector<16xi32>], vector<16xf32>,
      %parallel_loop3A_49 = arith.index_cast %parallel_loop3A_12 : i32 to index
      %parallel_loop3A_50 = arith.constant 64 : index
      %parallel_loop3A_51 = tpu.vector_load %arg4[%parallel_loop3A_49, %parallel_loop3A_50] {strides = array<i32>} : memref<80x128xi32, #tpu.memory_space<vmem>>, vector<16xi32>,
      %parallel_loop3A_52 = arith.constant 65535 : i32
      %parallel_loop3A_53 = vector.broadcast %parallel_loop3A_52 : i32 to vector<16xi32>
      %parallel_loop3A_54 = arith.andi %parallel_loop3A_51, %parallel_loop3A_53 : vector<16xi32>
      %parallel_loop3A_55 = arith.constant 16 : i32
      %parallel_loop3A_56 = vector.broadcast %parallel_loop3A_55 : i32 to vector<16xi32>
      %parallel_loop3A_57 = arith.shrui %parallel_loop3A_51, %parallel_loop3A_56 : vector<16xi32>
      tpu.vector_store_idx %arg5[%parallel_loop3A_54], %broadcast_in_dim3A_7 {add = true} : memref<10240xf32, #tpu.memory_space<vmem>>[vector<16xi32>], vector<16xf32>,
      tpu.vector_store_idx %arg6[%parallel_loop3A_57], %broadcast_in_dim3A_7 {add = true} : memref<10240xf32, #tpu.memory_space<vmem>>[vector<16xi32>], vector<16xf32>,
      %parallel_loop3A_58 = arith.index_cast %parallel_loop3A_12 : i32 to index
      %parallel_loop3A_59 = arith.constant 80 : index
      %parallel_loop3A_60 = tpu.vector_load %arg4[%parallel_loop3A_58, %parallel_loop3A_59] {strides = array<i32>} : memref<80x128xi32, #tpu.memory_space<vmem>>, vector<16xi32>,
      %parallel_loop3A_61 = arith.constant 65535 : i32
      %parallel_loop3A_62 = vector.broadcast %parallel_loop3A_61 : i32 to vector<16xi32>
      %parallel_loop3A_63 = arith.andi %parallel_loop3A_60, %parallel_loop3A_62 : vector<16xi32>
      %parallel_loop3A_64 = arith.constant 16 : i32
      %parallel_loop3A_65 = vector.broadcast %parallel_loop3A_64 : i32 to vector<16xi32>
      %parallel_loop3A_66 = arith.shrui %parallel_loop3A_60, %parallel_loop3A_65 : vector<16xi32>
      tpu.vector_store_idx %arg5[%parallel_loop3A_63], %broadcast_in_dim3A_7 {add = true} : memref<10240xf32, #tpu.memory_space<vmem>>[vector<16xi32>], vector<16xf32>,
      tpu.vector_store_idx %arg6[%parallel_loop3A_66], %broadcast_in_dim3A_7 {add = true} : memref<10240xf32, #tpu.memory_space<vmem>>[vector<16xi32>], vector<16xf32>,
      %parallel_loop3A_67 = arith.index_cast %parallel_loop3A_12 : i32 to index
      %parallel_loop3A_68 = arith.constant 96 : index
      %parallel_loop3A_69 = tpu.vector_load %arg4[%parallel_loop3A_67, %parallel_loop3A_68] {strides = array<i32>} : memref<80x128xi32, #tpu.memory_space<vmem>>, vector<16xi32>,
      %parallel_loop3A_70 = arith.constant 65535 : i32
      %parallel_loop3A_71 = vector.broadcast %parallel_loop3A_70 : i32 to vector<16xi32>
      %parallel_loop3A_72 = arith.andi %parallel_loop3A_69, %parallel_loop3A_71 : vector<16xi32>
      %parallel_loop3A_73 = arith.constant 16 : i32
      %parallel_loop3A_74 = vector.broadcast %parallel_loop3A_73 : i32 to vector<16xi32>
      %parallel_loop3A_75 = arith.shrui %parallel_loop3A_69, %parallel_loop3A_74 : vector<16xi32>
      tpu.vector_store_idx %arg5[%parallel_loop3A_72], %broadcast_in_dim3A_7 {add = true} : memref<10240xf32, #tpu.memory_space<vmem>>[vector<16xi32>], vector<16xf32>,
      tpu.vector_store_idx %arg6[%parallel_loop3A_75], %broadcast_in_dim3A_7 {add = true} : memref<10240xf32, #tpu.memory_space<vmem>>[vector<16xi32>], vector<16xf32>,
      %parallel_loop3A_76 = arith.index_cast %parallel_loop3A_12 : i32 to index
      %parallel_loop3A_77 = arith.constant 112 : index
      %parallel_loop3A_78 = tpu.vector_load %arg4[%parallel_loop3A_76, %parallel_loop3A_77] {strides = array<i32>} : memref<80x128xi32, #tpu.memory_space<vmem>>, vector<16xi32>,
      %parallel_loop3A_79 = arith.constant 65535 : i32
      %parallel_loop3A_80 = vector.broadcast %parallel_loop3A_79 : i32 to vector<16xi32>
      %parallel_loop3A_81 = arith.andi %parallel_loop3A_78, %parallel_loop3A_80 : vector<16xi32>
      %parallel_loop3A_82 = arith.constant 16 : i32
      %parallel_loop3A_83 = vector.broadcast %parallel_loop3A_82 : i32 to vector<16xi32>
      %parallel_loop3A_84 = arith.shrui %parallel_loop3A_78, %parallel_loop3A_83 : vector<16xi32>
      tpu.vector_store_idx %arg5[%parallel_loop3A_81], %broadcast_in_dim3A_7 {add = true} : memref<10240xf32, #tpu.memory_space<vmem>>[vector<16xi32>], vector<16xf32>,
      tpu.vector_store_idx %arg6[%parallel_loop3A_84], %broadcast_in_dim3A_7 {add = true} : memref<10240xf32, #tpu.memory_space<vmem>>[vector<16xi32>], vector<16xf32>,
    } {sc.loop_unroll_factor = 2 : i64, sc.parallel_access}
    %run_scoped3A = arith.constant 0 : i32
    "tpu.region"() ({
      %run_scoped3A_12 = tpu.sem_alloc : memref<!tpu.dma_semaphore, #tpu.memory_space<semaphore_mem>>
      %dma_start3A = arith.constant 0 : i32
      %dma_start3A_13 = tpu.memref_slice %arg3[%add3A, %run_scoped3A, %dma_start3A] : memref<32x2x10240xf32, #tpu.memory_space<hbm>> -> memref<1x1x10240xf32, #tpu.memory_space<hbm>>
      %dma_start3A_14 = tpu.memref_squeeze %dma_start3A_13 : memref<1x1x10240xf32, #tpu.memory_space<hbm>> -> memref<10240xf32, #tpu.memory_space<hbm>>
      %dma_start3A_15 = arith.constant 0 : i32
      %dma_start3A_16 = tpu.memref_slice %arg3[%add3A, %run_scoped3A, %dma_start3A_15] : memref<32x2x10240xf32, #tpu.memory_space<hbm>> -> memref<1x1x10240xf32, #tpu.memory_space<hbm>>
      %dma_start3A_17 = tpu.memref_squeeze %dma_start3A_16 : memref<1x1x10240xf32, #tpu.memory_space<hbm>> -> memref<10240xf32, #tpu.memory_space<hbm>>
      tpu.enqueue_dma source(%arg5 : memref<10240xf32, #tpu.memory_space<vmem>>) target(%dma_start3A_17 : memref<10240xf32, #tpu.memory_space<hbm>>) target_semaphore(%run_scoped3A_12 : memref<!tpu.dma_semaphore, #tpu.memory_space<semaphore_mem>>)
      %dma_wait3A = arith.constant 0 : i32
      %dma_wait3A_18 = tpu.memref_slice %arg3[%add3A, %run_scoped3A, %dma_wait3A] : memref<32x2x10240xf32, #tpu.memory_space<hbm>> -> memref<1x1x10240xf32, #tpu.memory_space<hbm>>
      %dma_wait3A_19 = tpu.memref_squeeze %dma_wait3A_18 : memref<1x1x10240xf32, #tpu.memory_space<hbm>> -> memref<10240xf32, #tpu.memory_space<hbm>>
      %dma_wait3A_20 = arith.constant 0 : i32
      %dma_wait3A_21 = tpu.memref_slice %arg3[%add3A, %run_scoped3A, %dma_wait3A_20] : memref<32x2x10240xf32, #tpu.memory_space<hbm>> -> memref<1x1x10240xf32, #tpu.memory_space<hbm>>
      %dma_wait3A_22 = tpu.memref_squeeze %dma_wait3A_21 : memref<1x1x10240xf32, #tpu.memory_space<hbm>> -> memref<10240xf32, #tpu.memory_space<hbm>>
      tpu.wait_dma2 semaphore(%run_scoped3A_12 : memref<!tpu.dma_semaphore, #tpu.memory_space<semaphore_mem>>) src(%arg5 : memref<10240xf32, #tpu.memory_space<vmem>>) dst(%dma_wait3A_22 : memref<10240xf32, #tpu.memory_space<hbm>>)
      tpu.yield
    }) : () -> ()
    %run_scoped3A_11 = arith.constant 1 : i32
    "tpu.region"() ({
      %run_scoped3A_12 = tpu.sem_alloc : memref<!tpu.dma_semaphore, #tpu.memory_space<semaphore_mem>>
      %dma_start3A = arith.constant 0 : i32
      %dma_start3A_13 = tpu.memref_slice %arg3[%add3A, %run_scoped3A_11, %dma_start3A] : memref<32x2x10240xf32, #tpu.memory_space<hbm>> -> memref<1x1x10240xf32, #tpu.memory_space<hbm>>
      %dma_start3A_14 = tpu.memref_squeeze %dma_start3A_13 : memref<1x1x10240xf32, #tpu.memory_space<hbm>> -> memref<10240xf32, #tpu.memory_space<hbm>>
      %dma_start3A_15 = arith.constant 0 : i32
      %dma_start3A_16 = tpu.memref_slice %arg3[%add3A, %run_scoped3A_11, %dma_start3A_15] : memref<32x2x10240xf32, #tpu.memory_space<hbm>> -> memref<1x1x10240xf32, #tpu.memory_space<hbm>>
      %dma_start3A_17 = tpu.memref_squeeze %dma_start3A_16 : memref<1x1x10240xf32, #tpu.memory_space<hbm>> -> memref<10240xf32, #tpu.memory_space<hbm>>
      tpu.enqueue_dma source(%arg6 : memref<10240xf32, #tpu.memory_space<vmem>>) target(%dma_start3A_17 : memref<10240xf32, #tpu.memory_space<hbm>>) target_semaphore(%run_scoped3A_12 : memref<!tpu.dma_semaphore, #tpu.memory_space<semaphore_mem>>)
      %dma_wait3A = arith.constant 0 : i32
      %dma_wait3A_18 = tpu.memref_slice %arg3[%add3A, %run_scoped3A_11, %dma_wait3A] : memref<32x2x10240xf32, #tpu.memory_space<hbm>> -> memref<1x1x10240xf32, #tpu.memory_space<hbm>>
      %dma_wait3A_19 = tpu.memref_squeeze %dma_wait3A_18 : memref<1x1x10240xf32, #tpu.memory_space<hbm>> -> memref<10240xf32, #tpu.memory_space<hbm>>
      %dma_wait3A_20 = arith.constant 0 : i32
      %dma_wait3A_21 = tpu.memref_slice %arg3[%add3A, %run_scoped3A_11, %dma_wait3A_20] : memref<32x2x10240xf32, #tpu.memory_space<hbm>> -> memref<1x1x10240xf32, #tpu.memory_space<hbm>>
      %dma_wait3A_22 = tpu.memref_squeeze %dma_wait3A_21 : memref<1x1x10240xf32, #tpu.memory_space<hbm>> -> memref<10240xf32, #tpu.memory_space<hbm>>
      tpu.wait_dma2 semaphore(%run_scoped3A_12 : memref<!tpu.dma_semaphore, #tpu.memory_space<semaphore_mem>>) src(%arg6 : memref<10240xf32, #tpu.memory_space<vmem>>) dst(%dma_wait3A_22 : memref<10240xf32, #tpu.memory_space<hbm>>)
      tpu.yield
    }) : () -> ()
    return
  }
}

#map = affine_map<(d0, d1) -> (0, 0, 0)>
#map1 = affine_map<(d0, d1) -> (0, 0)>
module attributes {stable_mosaic.version = 14 : i64} {
  func.func @agg_kernel(%arg0: i32, %arg1: i32, %arg2: memref<32x2x10240xi32, #tpu.memory_space<hbm>>, %arg3: memref<2560x128xi32, #tpu.memory_space<hbm>>, %arg4: memref<32x4x10240xf32, #tpu.memory_space<hbm>>, %arg5: memref<10240xi32, #tpu.memory_space<vmem>>, %arg6: memref<10240xi32, #tpu.memory_space<vmem>>, %arg7: memref<10240xf32, #tpu.memory_space<vmem>>, %arg8: memref<10240xf32, #tpu.memory_space<vmem>>, %arg9: memref<10240xf32, #tpu.memory_space<vmem>>, %arg10: memref<10240xf32, #tpu.memory_space<vmem>>, %arg11: memref<2x32x128xi32, #tpu.memory_space<vmem>>, %arg12: memref<!tpu.dma_semaphore, #tpu.memory_space<semaphore_mem>>) attributes {dimension_semantics = [#tpu.dimension_semantics<core_parallel>, #tpu.dimension_semantics<subcore_parallel>], iteration_bounds = array<i64: 2, 16>, scalar_prefetch = 0 : i64, scratch_operands = 8 : i64, tpu.core_type = #tpu.core_type<sc_vector_subcore>, window_params = [{transform_indices = #map}, {transform_indices = #map1}, {transform_indices = #map}]} {
    %mul3A = arith.constant 2 : i32
    %mul3A_0 = arith.muli %arg1, %mul3A : i32
    %add3A = arith.addi %mul3A_0, %arg0 : i32
    %run_scoped3A = arith.constant 0 : i32
    "tpu.region"() ({
      %run_scoped3A_16 = tpu.sem_alloc : memref<!tpu.dma_semaphore, #tpu.memory_space<semaphore_mem>>
      %dma_start3A = arith.constant 0 : i32
      %dma_start3A_17 = tpu.memref_slice %arg2[%add3A, %run_scoped3A, %dma_start3A] : memref<32x2x10240xi32, #tpu.memory_space<hbm>> -> memref<1x1x10240xi32, #tpu.memory_space<hbm>>
      %dma_start3A_18 = tpu.memref_squeeze %dma_start3A_17 : memref<1x1x10240xi32, #tpu.memory_space<hbm>> -> memref<10240xi32, #tpu.memory_space<hbm>>
      %dma_start3A_19 = arith.constant 0 : i32
      %dma_start3A_20 = tpu.memref_slice %arg2[%add3A, %run_scoped3A, %dma_start3A_19] : memref<32x2x10240xi32, #tpu.memory_space<hbm>> -> memref<1x1x10240xi32, #tpu.memory_space<hbm>>
      %dma_start3A_21 = tpu.memref_squeeze %dma_start3A_20 : memref<1x1x10240xi32, #tpu.memory_space<hbm>> -> memref<10240xi32, #tpu.memory_space<hbm>>
      tpu.enqueue_dma source(%dma_start3A_21 : memref<10240xi32, #tpu.memory_space<hbm>>) target(%arg5 : memref<10240xi32, #tpu.memory_space<vmem>>) target_semaphore(%run_scoped3A_16 : memref<!tpu.dma_semaphore, #tpu.memory_space<semaphore_mem>>)
      %dma_wait3A = arith.constant 0 : i32
      %dma_wait3A_22 = tpu.memref_slice %arg2[%add3A, %run_scoped3A, %dma_wait3A] : memref<32x2x10240xi32, #tpu.memory_space<hbm>> -> memref<1x1x10240xi32, #tpu.memory_space<hbm>>
      %dma_wait3A_23 = tpu.memref_squeeze %dma_wait3A_22 : memref<1x1x10240xi32, #tpu.memory_space<hbm>> -> memref<10240xi32, #tpu.memory_space<hbm>>
      %dma_wait3A_24 = arith.constant 0 : i32
      %dma_wait3A_25 = tpu.memref_slice %arg2[%add3A, %run_scoped3A, %dma_wait3A_24] : memref<32x2x10240xi32, #tpu.memory_space<hbm>> -> memref<1x1x10240xi32, #tpu.memory_space<hbm>>
      %dma_wait3A_26 = tpu.memref_squeeze %dma_wait3A_25 : memref<1x1x10240xi32, #tpu.memory_space<hbm>> -> memref<10240xi32, #tpu.memory_space<hbm>>
      tpu.wait_dma2 semaphore(%run_scoped3A_16 : memref<!tpu.dma_semaphore, #tpu.memory_space<semaphore_mem>>) src(%dma_wait3A_26 : memref<10240xi32, #tpu.memory_space<hbm>>) dst(%arg5 : memref<10240xi32, #tpu.memory_space<vmem>>)
      tpu.yield
    }) : () -> ()
    %run_scoped3A_1 = arith.constant 1 : i32
    "tpu.region"() ({
      %run_scoped3A_16 = tpu.sem_alloc : memref<!tpu.dma_semaphore, #tpu.memory_space<semaphore_mem>>
      %dma_start3A = arith.constant 0 : i32
      %dma_start3A_17 = tpu.memref_slice %arg2[%add3A, %run_scoped3A_1, %dma_start3A] : memref<32x2x10240xi32, #tpu.memory_space<hbm>> -> memref<1x1x10240xi32, #tpu.memory_space<hbm>>
      %dma_start3A_18 = tpu.memref_squeeze %dma_start3A_17 : memref<1x1x10240xi32, #tpu.memory_space<hbm>> -> memref<10240xi32, #tpu.memory_space<hbm>>
      %dma_start3A_19 = arith.constant 0 : i32
      %dma_start3A_20 = tpu.memref_slice %arg2[%add3A, %run_scoped3A_1, %dma_start3A_19] : memref<32x2x10240xi32, #tpu.memory_space<hbm>> -> memref<1x1x10240xi32, #tpu.memory_space<hbm>>
      %dma_start3A_21 = tpu.memref_squeeze %dma_start3A_20 : memref<1x1x10240xi32, #tpu.memory_space<hbm>> -> memref<10240xi32, #tpu.memory_space<hbm>>
      tpu.enqueue_dma source(%dma_start3A_21 : memref<10240xi32, #tpu.memory_space<hbm>>) target(%arg6 : memref<10240xi32, #tpu.memory_space<vmem>>) target_semaphore(%run_scoped3A_16 : memref<!tpu.dma_semaphore, #tpu.memory_space<semaphore_mem>>)
      %dma_wait3A = arith.constant 0 : i32
      %dma_wait3A_22 = tpu.memref_slice %arg2[%add3A, %run_scoped3A_1, %dma_wait3A] : memref<32x2x10240xi32, #tpu.memory_space<hbm>> -> memref<1x1x10240xi32, #tpu.memory_space<hbm>>
      %dma_wait3A_23 = tpu.memref_squeeze %dma_wait3A_22 : memref<1x1x10240xi32, #tpu.memory_space<hbm>> -> memref<10240xi32, #tpu.memory_space<hbm>>
      %dma_wait3A_24 = arith.constant 0 : i32
      %dma_wait3A_25 = tpu.memref_slice %arg2[%add3A, %run_scoped3A_1, %dma_wait3A_24] : memref<32x2x10240xi32, #tpu.memory_space<hbm>> -> memref<1x1x10240xi32, #tpu.memory_space<hbm>>
      %dma_wait3A_26 = tpu.memref_squeeze %dma_wait3A_25 : memref<1x1x10240xi32, #tpu.memory_space<hbm>> -> memref<10240xi32, #tpu.memory_space<hbm>>
      tpu.wait_dma2 semaphore(%run_scoped3A_16 : memref<!tpu.dma_semaphore, #tpu.memory_space<semaphore_mem>>) src(%dma_wait3A_26 : memref<10240xi32, #tpu.memory_space<hbm>>) dst(%arg6 : memref<10240xi32, #tpu.memory_space<vmem>>)
      tpu.yield
    }) : () -> ()
    %broadcast_in_dim3A = arith.constant 0.000000e+00 : f32
    %broadcast_in_dim3A_2 = vector.broadcast %broadcast_in_dim3A : f32 to vector<16xf32>
    %parallel_loop3A = arith.constant 0 : i32
    %parallel_loop3A_3 = arith.constant 640 : i32
    %parallel_loop3A_4 = arith.constant 1 : i32
    scf.for %parallel_loop3A_16 = %parallel_loop3A to %parallel_loop3A_3 step %parallel_loop3A_4  : i32 {
      %parallel_loop3A_17 = arith.constant 16 : i32
      %parallel_loop3A_18 = arith.muli %parallel_loop3A_16, %parallel_loop3A_17 : i32
      %parallel_loop3A_19 = arith.index_cast %parallel_loop3A_18 : i32 to index
      %parallel_loop3A_20 = tpu.vector_load %arg7[%parallel_loop3A_19] {strides = array<i32>} : memref<10240xf32, #tpu.memory_space<vmem>>, vector<16xf32>,
      tpu.vector_store %arg7[%parallel_loop3A_19], %broadcast_in_dim3A_2 {strides = array<i32>} : memref<10240xf32, #tpu.memory_space<vmem>>, vector<16xf32>,
      %parallel_loop3A_21 = arith.constant 16 : i32
      %parallel_loop3A_22 = arith.muli %parallel_loop3A_16, %parallel_loop3A_21 : i32
      %parallel_loop3A_23 = arith.index_cast %parallel_loop3A_22 : i32 to index
      %parallel_loop3A_24 = tpu.vector_load %arg8[%parallel_loop3A_23] {strides = array<i32>} : memref<10240xf32, #tpu.memory_space<vmem>>, vector<16xf32>,
      tpu.vector_store %arg8[%parallel_loop3A_23], %broadcast_in_dim3A_2 {strides = array<i32>} : memref<10240xf32, #tpu.memory_space<vmem>>, vector<16xf32>,
      %parallel_loop3A_25 = arith.constant 16 : i32
      %parallel_loop3A_26 = arith.muli %parallel_loop3A_16, %parallel_loop3A_25 : i32
      %parallel_loop3A_27 = arith.index_cast %parallel_loop3A_26 : i32 to index
      %parallel_loop3A_28 = tpu.vector_load %arg9[%parallel_loop3A_27] {strides = array<i32>} : memref<10240xf32, #tpu.memory_space<vmem>>, vector<16xf32>,
      tpu.vector_store %arg9[%parallel_loop3A_27], %broadcast_in_dim3A_2 {strides = array<i32>} : memref<10240xf32, #tpu.memory_space<vmem>>, vector<16xf32>,
      %parallel_loop3A_29 = arith.constant 16 : i32
      %parallel_loop3A_30 = arith.muli %parallel_loop3A_16, %parallel_loop3A_29 : i32
      %parallel_loop3A_31 = arith.index_cast %parallel_loop3A_30 : i32 to index
      %parallel_loop3A_32 = tpu.vector_load %arg10[%parallel_loop3A_31] {strides = array<i32>} : memref<10240xf32, #tpu.memory_space<vmem>>, vector<16xf32>,
      tpu.vector_store %arg10[%parallel_loop3A_31], %broadcast_in_dim3A_2 {strides = array<i32>} : memref<10240xf32, #tpu.memory_space<vmem>>, vector<16xf32>,
    } {sc.loop_unroll_factor = 4 : i64, sc.parallel_access}
    %run_scoped3A_5 = arith.constant 0 : i32
    "tpu.region"() ({
      %run_scoped3A_16 = tpu.sem_alloc : memref<!tpu.dma_semaphore, #tpu.memory_space<semaphore_mem>>
      %dma_start3A = arith.constant 0 : i32
      %dma_start3A_17 = arith.constant 0 : i32
      %dma_start3A_18 = tpu.memref_slice %arg11[%run_scoped3A_5, %dma_start3A, %dma_start3A_17] : memref<2x32x128xi32, #tpu.memory_space<vmem>> -> memref<1x32x128xi32, #tpu.memory_space<vmem>>
      %dma_start3A_19 = tpu.memref_squeeze %dma_start3A_18 : memref<1x32x128xi32, #tpu.memory_space<vmem>> -> memref<32x128xi32, #tpu.memory_space<vmem>>
      %dma_start3A_20 = arith.constant 0 : i32
      %dma_start3A_21 = arith.constant 0 : i32
      %dma_start3A_22 = tpu.memref_slice %arg3[%dma_start3A_20, %dma_start3A_21] : memref<2560x128xi32, #tpu.memory_space<hbm>> -> memref<32x128xi32, #tpu.memory_space<hbm>>
      %dma_start3A_23 = arith.constant 0 : i32
      %dma_start3A_24 = arith.constant 0 : i32
      %dma_start3A_25 = tpu.memref_slice %arg11[%run_scoped3A_5, %dma_start3A_23, %dma_start3A_24] : memref<2x32x128xi32, #tpu.memory_space<vmem>> -> memref<1x32x128xi32, #tpu.memory_space<vmem>>
      %dma_start3A_26 = tpu.memref_squeeze %dma_start3A_25 : memref<1x32x128xi32, #tpu.memory_space<vmem>> -> memref<32x128xi32, #tpu.memory_space<vmem>>
      %dma_start3A_27 = arith.constant 0 : i32
      %dma_start3A_28 = arith.constant 0 : i32
      %dma_start3A_29 = tpu.memref_slice %arg3[%dma_start3A_27, %dma_start3A_28] : memref<2560x128xi32, #tpu.memory_space<hbm>> -> memref<32x128xi32, #tpu.memory_space<hbm>>
      tpu.enqueue_dma source(%dma_start3A_29 : memref<32x128xi32, #tpu.memory_space<hbm>>) target(%dma_start3A_26 : memref<32x128xi32, #tpu.memory_space<vmem>>) target_semaphore(%run_scoped3A_16 : memref<!tpu.dma_semaphore, #tpu.memory_space<semaphore_mem>>)
      %dma_wait3A = arith.constant 0 : i32
      %dma_wait3A_30 = arith.constant 0 : i32
      %dma_wait3A_31 = tpu.memref_slice %arg11[%run_scoped3A_5, %dma_wait3A, %dma_wait3A_30] : memref<2x32x128xi32, #tpu.memory_space<vmem>> -> memref<1x32x128xi32, #tpu.memory_space<vmem>>
      %dma_wait3A_32 = tpu.memref_squeeze %dma_wait3A_31 : memref<1x32x128xi32, #tpu.memory_space<vmem>> -> memref<32x128xi32, #tpu.memory_space<vmem>>
      %dma_wait3A_33 = arith.constant 0 : i32
      %dma_wait3A_34 = arith.constant 0 : i32
      %dma_wait3A_35 = tpu.memref_slice %arg3[%dma_wait3A_33, %dma_wait3A_34] : memref<2560x128xi32, #tpu.memory_space<hbm>> -> memref<32x128xi32, #tpu.memory_space<hbm>>
      %dma_wait3A_36 = arith.constant 0 : i32
      %dma_wait3A_37 = arith.constant 0 : i32
      %dma_wait3A_38 = tpu.memref_slice %arg11[%run_scoped3A_5, %dma_wait3A_36, %dma_wait3A_37] : memref<2x32x128xi32, #tpu.memory_space<vmem>> -> memref<1x32x128xi32, #tpu.memory_space<vmem>>
      %dma_wait3A_39 = tpu.memref_squeeze %dma_wait3A_38 : memref<1x32x128xi32, #tpu.memory_space<vmem>> -> memref<32x128xi32, #tpu.memory_space<vmem>>
      %dma_wait3A_40 = arith.constant 0 : i32
      %dma_wait3A_41 = arith.constant 0 : i32
      %dma_wait3A_42 = tpu.memref_slice %arg3[%dma_wait3A_40, %dma_wait3A_41] : memref<2560x128xi32, #tpu.memory_space<hbm>> -> memref<32x128xi32, #tpu.memory_space<hbm>>
      tpu.wait_dma2 semaphore(%run_scoped3A_16 : memref<!tpu.dma_semaphore, #tpu.memory_space<semaphore_mem>>) src(%dma_wait3A_42 : memref<32x128xi32, #tpu.memory_space<hbm>>) dst(%dma_wait3A_39 : memref<32x128xi32, #tpu.memory_space<vmem>>)
      tpu.yield
    }) : () -> ()
    %scan3A = arith.constant 0 : i32
    %scan3A_6 = arith.constant 0 : i32
    %scan3A_7 = arith.constant 80 : i32
    %scan3A_8 = arith.addi %scan3A_6, %scan3A_7 : i32
    %scan3A_9 = arith.constant 1 : i32
    %scan3A_10 = scf.for %scan3A_16 = %scan3A_6 to %scan3A_8 step %scan3A_9 iter_args(%scan3A_17 = %scan3A) -> (i32)  : i32 {
      %jit3A = arith.constant 2 : i32
      %eq3A = arith.constant 0 : i32
      %eq3A_18 = arith.cmpi eq, %jit3A, %eq3A : i32
      %jit3A_19 = arith.constant 1 : i32
      %select_n3A = arith.select %eq3A_18, %jit3A_19, %jit3A : i32
      %rem3A = arith.remsi %scan3A_16, %select_n3A : i32
      %ne3A = arith.constant 0 : i32
      %ne3A_20 = arith.cmpi ne, %rem3A, %ne3A : i32
      %lt3A = arith.constant 0 : i32
      %lt3A_21 = arith.cmpi slt, %rem3A, %lt3A : i32
      %lt3A_22 = arith.constant 0 : i32
      %lt3A_23 = arith.cmpi slt, %select_n3A, %lt3A_22 : i32
      %ne3A_24 = arith.xori %lt3A_21, %lt3A_23 : i1
      %and3A = arith.andi %ne3A_24, %ne3A_20 : i1
      %add3A_25 = arith.addi %rem3A, %select_n3A : i32
      %select_n3A_26 = arith.select %and3A, %add3A_25, %rem3A : i32
      %gt3A = arith.constant 0 : i32
      %gt3A_27 = arith.cmpi sgt, %scan3A_16, %gt3A : i32
      %convert_element_type3A = arith.extui %gt3A_27 : i1 to i32
      %cond3A = arith.constant 0 : i32
      %cond3A_28 = arith.cmpi ne, %convert_element_type3A, %cond3A : i32
      scf.if %cond3A_28 {
        %dma_wait3A = arith.constant 0 : i32
        %dma_wait3A_38 = arith.constant 0 : i32
        %dma_wait3A_39 = arith.constant 0 : i32
        %dma_wait3A_40 = tpu.memref_slice %arg11[%dma_wait3A, %dma_wait3A_38, %dma_wait3A_39] : memref<2x32x128xi32, #tpu.memory_space<vmem>> -> memref<1x32x128xi32, #tpu.memory_space<vmem>>
        %dma_wait3A_41 = tpu.memref_squeeze %dma_wait3A_40 : memref<1x32x128xi32, #tpu.memory_space<vmem>> -> memref<32x128xi32, #tpu.memory_space<vmem>>
        %dma_wait3A_42 = arith.constant 0 : i32
        %dma_wait3A_43 = arith.constant 0 : i32
        %dma_wait3A_44 = tpu.memref_slice %arg3[%dma_wait3A_42, %dma_wait3A_43] : memref<2560x128xi32, #tpu.memory_space<hbm>> -> memref<32x128xi32, #tpu.memory_space<hbm>>
        %dma_wait3A_45 = arith.constant 0 : i32
        %dma_wait3A_46 = arith.constant 0 : i32
        %dma_wait3A_47 = tpu.memref_slice %arg11[%dma_wait3A, %dma_wait3A_45, %dma_wait3A_46] : memref<2x32x128xi32, #tpu.memory_space<vmem>> -> memref<1x32x128xi32, #tpu.memory_space<vmem>>
        %dma_wait3A_48 = tpu.memref_squeeze %dma_wait3A_47 : memref<1x32x128xi32, #tpu.memory_space<vmem>> -> memref<32x128xi32, #tpu.memory_space<vmem>>
        %dma_wait3A_49 = arith.constant 0 : i32
        %dma_wait3A_50 = arith.constant 0 : i32
        %dma_wait3A_51 = tpu.memref_slice %arg3[%dma_wait3A_49, %dma_wait3A_50] : memref<2560x128xi32, #tpu.memory_space<hbm>> -> memref<32x128xi32, #tpu.memory_space<hbm>>
        tpu.wait_dma2 semaphore(%arg12 : memref<!tpu.dma_semaphore, #tpu.memory_space<semaphore_mem>>) src(%dma_wait3A_51 : memref<32x128xi32, #tpu.memory_space<hbm>>) dst(%dma_wait3A_48 : memref<32x128xi32, #tpu.memory_space<vmem>>)
      } else {
      }
      %lt3A_29 = arith.constant 79 : i32
      %lt3A_30 = arith.cmpi slt, %scan3A_16, %lt3A_29 : i32
      %convert_element_type3A_31 = arith.extui %lt3A_30 : i1 to i32
      %cond3A_32 = arith.constant 0 : i32
      %cond3A_33 = arith.cmpi ne, %convert_element_type3A_31, %cond3A_32 : i32
      scf.if %cond3A_33 {
        %add3A_38 = arith.constant 1 : i32
        %add3A_39 = arith.addi %scan3A_16, %add3A_38 : i32
        %mul3A_40 = arith.constant 32 : i32
        %mul3A_41 = arith.muli %add3A_39, %mul3A_40 : i32
        %multiple_of3A = tpu.assume_multiple %mul3A_41, 32 : i32
        %add3A_42 = arith.constant 1 : i32
        %add3A_43 = arith.addi %scan3A_16, %add3A_42 : i32
        %jit3A_44 = arith.constant 2 : i32
        %eq3A_45 = arith.constant 0 : i32
        %eq3A_46 = arith.cmpi eq, %jit3A_44, %eq3A_45 : i32
        %jit3A_47 = arith.constant 1 : i32
        %select_n3A_48 = arith.select %eq3A_46, %jit3A_47, %jit3A_44 : i32
        %rem3A_49 = arith.remsi %add3A_43, %select_n3A_48 : i32
        %ne3A_50 = arith.constant 0 : i32
        %ne3A_51 = arith.cmpi ne, %rem3A_49, %ne3A_50 : i32
        %lt3A_52 = arith.constant 0 : i32
        %lt3A_53 = arith.cmpi slt, %rem3A_49, %lt3A_52 : i32
        %lt3A_54 = arith.constant 0 : i32
        %lt3A_55 = arith.cmpi slt, %select_n3A_48, %lt3A_54 : i32
        %ne3A_56 = arith.xori %lt3A_53, %lt3A_55 : i1
        %and3A_57 = arith.andi %ne3A_56, %ne3A_51 : i1
        %add3A_58 = arith.addi %rem3A_49, %select_n3A_48 : i32
        %select_n3A_59 = arith.select %and3A_57, %add3A_58, %rem3A_49 : i32
        %dma_start3A = arith.constant 0 : i32
        %dma_start3A_60 = arith.constant 0 : i32
        %dma_start3A_61 = tpu.memref_slice %arg11[%select_n3A_59, %dma_start3A, %dma_start3A_60] : memref<2x32x128xi32, #tpu.memory_space<vmem>> -> memref<1x32x128xi32, #tpu.memory_space<vmem>>
        %dma_start3A_62 = tpu.memref_squeeze %dma_start3A_61 : memref<1x32x128xi32, #tpu.memory_space<vmem>> -> memref<32x128xi32, #tpu.memory_space<vmem>>
        %dma_start3A_63 = arith.constant 0 : i32
        %dma_start3A_64 = tpu.memref_slice %arg3[%multiple_of3A, %dma_start3A_63] : memref<2560x128xi32, #tpu.memory_space<hbm>> -> memref<32x128xi32, #tpu.memory_space<hbm>>
        %dma_start3A_65 = arith.constant 0 : i32
        %dma_start3A_66 = arith.constant 0 : i32
        %dma_start3A_67 = tpu.memref_slice %arg11[%select_n3A_59, %dma_start3A_65, %dma_start3A_66] : memref<2x32x128xi32, #tpu.memory_space<vmem>> -> memref<1x32x128xi32, #tpu.memory_space<vmem>>
        %dma_start3A_68 = tpu.memref_squeeze %dma_start3A_67 : memref<1x32x128xi32, #tpu.memory_space<vmem>> -> memref<32x128xi32, #tpu.memory_space<vmem>>
        %dma_start3A_69 = arith.constant 0 : i32
        %dma_start3A_70 = tpu.memref_slice %arg3[%multiple_of3A, %dma_start3A_69] : memref<2560x128xi32, #tpu.memory_space<hbm>> -> memref<32x128xi32, #tpu.memory_space<hbm>>
        tpu.enqueue_dma source(%dma_start3A_70 : memref<32x128xi32, #tpu.memory_space<hbm>>) target(%dma_start3A_68 : memref<32x128xi32, #tpu.memory_space<vmem>>) target_semaphore(%arg12 : memref<!tpu.dma_semaphore, #tpu.memory_space<semaphore_mem>>)
      } else {
      }
      %parallel_loop3A_34 = arith.constant 0 : i32
      %parallel_loop3A_35 = arith.constant 256 : i32
      %parallel_loop3A_36 = arith.constant 1 : i32
      scf.for %parallel_loop3A_38 = %parallel_loop3A_34 to %parallel_loop3A_35 step %parallel_loop3A_36  : i32 {
        %parallel_loop3A_39 = arith.constant 3 : i32
        %parallel_loop3A_40 = arith.shrui %parallel_loop3A_38, %parallel_loop3A_39 : i32
        %parallel_loop3A_41 = arith.constant 7 : i32
        %parallel_loop3A_42 = arith.andi %parallel_loop3A_38, %parallel_loop3A_41 : i32
        %parallel_loop3A_43 = arith.constant 4 : i32
        %parallel_loop3A_44 = arith.shli %parallel_loop3A_42, %parallel_loop3A_43 : i32
        %parallel_loop3A_45 = arith.index_cast %select_n3A_26 : i32 to index
        %parallel_loop3A_46 = arith.index_cast %parallel_loop3A_40 : i32 to index
        %parallel_loop3A_47 = arith.index_cast %parallel_loop3A_44 : i32 to index
        %parallel_loop3A_48 = tpu.vector_load %arg11[%parallel_loop3A_45, %parallel_loop3A_46, %parallel_loop3A_47] {strides = array<i32>} : memref<2x32x128xi32, #tpu.memory_space<vmem>>, vector<16xi32>,
        %parallel_loop3A_49 = arith.constant 65535 : i32
        %parallel_loop3A_50 = vector.broadcast %parallel_loop3A_49 : i32 to vector<16xi32>
        %parallel_loop3A_51 = arith.andi %parallel_loop3A_48, %parallel_loop3A_50 : vector<16xi32>
        %parallel_loop3A_52 = arith.constant 16 : i32
        %parallel_loop3A_53 = vector.broadcast %parallel_loop3A_52 : i32 to vector<16xi32>
        %parallel_loop3A_54 = arith.shrui %parallel_loop3A_48, %parallel_loop3A_53 : vector<16xi32>
        %parallel_loop3A_55 = tpu.vector_load_idx %arg5[%parallel_loop3A_51] : memref<10240xi32, #tpu.memory_space<vmem>>[vector<16xi32>], vector<16xi32>,
        %parallel_loop3A_56 = arith.constant 16 : i32
        %parallel_loop3A_57 = vector.broadcast %parallel_loop3A_56 : i32 to vector<16xi32>
        %parallel_loop3A_58 = arith.shli %parallel_loop3A_55, %parallel_loop3A_57 : vector<16xi32>
        %parallel_loop3A_59 = vector.bitcast %parallel_loop3A_58 : vector<16xi32> to vector<16xf32>
        %parallel_loop3A_60 = arith.constant -65536 : i32
        %parallel_loop3A_61 = vector.broadcast %parallel_loop3A_60 : i32 to vector<16xi32>
        %parallel_loop3A_62 = arith.andi %parallel_loop3A_55, %parallel_loop3A_61 : vector<16xi32>
        %parallel_loop3A_63 = vector.bitcast %parallel_loop3A_62 : vector<16xi32> to vector<16xf32>
        tpu.vector_store_idx %arg7[%parallel_loop3A_54], %parallel_loop3A_59 {add = true} : memref<10240xf32, #tpu.memory_space<vmem>>[vector<16xi32>], vector<16xf32>,
        tpu.vector_store_idx %arg8[%parallel_loop3A_54], %parallel_loop3A_63 {add = true} : memref<10240xf32, #tpu.memory_space<vmem>>[vector<16xi32>], vector<16xf32>,
        %parallel_loop3A_64 = tpu.vector_load_idx %arg6[%parallel_loop3A_51] : memref<10240xi32, #tpu.memory_space<vmem>>[vector<16xi32>], vector<16xi32>,
        %parallel_loop3A_65 = arith.constant 16 : i32
        %parallel_loop3A_66 = vector.broadcast %parallel_loop3A_65 : i32 to vector<16xi32>
        %parallel_loop3A_67 = arith.shli %parallel_loop3A_64, %parallel_loop3A_66 : vector<16xi32>
        %parallel_loop3A_68 = vector.bitcast %parallel_loop3A_67 : vector<16xi32> to vector<16xf32>
        %parallel_loop3A_69 = arith.constant -65536 : i32
        %parallel_loop3A_70 = vector.broadcast %parallel_loop3A_69 : i32 to vector<16xi32>
        %parallel_loop3A_71 = arith.andi %parallel_loop3A_64, %parallel_loop3A_70 : vector<16xi32>
        %parallel_loop3A_72 = vector.bitcast %parallel_loop3A_71 : vector<16xi32> to vector<16xf32>
        tpu.vector_store_idx %arg9[%parallel_loop3A_54], %parallel_loop3A_68 {add = true} : memref<10240xf32, #tpu.memory_space<vmem>>[vector<16xi32>], vector<16xf32>,
        tpu.vector_store_idx %arg10[%parallel_loop3A_54], %parallel_loop3A_72 {add = true} : memref<10240xf32, #tpu.memory_space<vmem>>[vector<16xi32>], vector<16xf32>,
      } {sc.loop_unroll_factor = 4 : i64, sc.parallel_access}
      %scan3A_37 = arith.constant 0 : i32
      scf.yield %scan3A_37 : i32
    }
    %scan3A_11 = arith.constant 80 : i32
    %run_scoped3A_12 = arith.constant 0 : i32
    "tpu.region"() ({
      %run_scoped3A_16 = tpu.sem_alloc : memref<!tpu.dma_semaphore, #tpu.memory_space<semaphore_mem>>
      %dma_start3A = arith.constant 0 : i32
      %dma_start3A_17 = tpu.memref_slice %arg4[%add3A, %run_scoped3A_12, %dma_start3A] : memref<32x4x10240xf32, #tpu.memory_space<hbm>> -> memref<1x1x10240xf32, #tpu.memory_space<hbm>>
      %dma_start3A_18 = tpu.memref_squeeze %dma_start3A_17 : memref<1x1x10240xf32, #tpu.memory_space<hbm>> -> memref<10240xf32, #tpu.memory_space<hbm>>
      %dma_start3A_19 = arith.constant 0 : i32
      %dma_start3A_20 = tpu.memref_slice %arg4[%add3A, %run_scoped3A_12, %dma_start3A_19] : memref<32x4x10240xf32, #tpu.memory_space<hbm>> -> memref<1x1x10240xf32, #tpu.memory_space<hbm>>
      %dma_start3A_21 = tpu.memref_squeeze %dma_start3A_20 : memref<1x1x10240xf32, #tpu.memory_space<hbm>> -> memref<10240xf32, #tpu.memory_space<hbm>>
      tpu.enqueue_dma source(%arg7 : memref<10240xf32, #tpu.memory_space<vmem>>) target(%dma_start3A_21 : memref<10240xf32, #tpu.memory_space<hbm>>) target_semaphore(%run_scoped3A_16 : memref<!tpu.dma_semaphore, #tpu.memory_space<semaphore_mem>>)
      %dma_wait3A = arith.constant 0 : i32
      %dma_wait3A_22 = tpu.memref_slice %arg4[%add3A, %run_scoped3A_12, %dma_wait3A] : memref<32x4x10240xf32, #tpu.memory_space<hbm>> -> memref<1x1x10240xf32, #tpu.memory_space<hbm>>
      %dma_wait3A_23 = tpu.memref_squeeze %dma_wait3A_22 : memref<1x1x10240xf32, #tpu.memory_space<hbm>> -> memref<10240xf32, #tpu.memory_space<hbm>>
      %dma_wait3A_24 = arith.constant 0 : i32
      %dma_wait3A_25 = tpu.memref_slice %arg4[%add3A, %run_scoped3A_12, %dma_wait3A_24] : memref<32x4x10240xf32, #tpu.memory_space<hbm>> -> memref<1x1x10240xf32, #tpu.memory_space<hbm>>
      %dma_wait3A_26 = tpu.memref_squeeze %dma_wait3A_25 : memref<1x1x10240xf32, #tpu.memory_space<hbm>> -> memref<10240xf32, #tpu.memory_space<hbm>>
      tpu.wait_dma2 semaphore(%run_scoped3A_16 : memref<!tpu.dma_semaphore, #tpu.memory_space<semaphore_mem>>) src(%arg7 : memref<10240xf32, #tpu.memory_space<vmem>>) dst(%dma_wait3A_26 : memref<10240xf32, #tpu.memory_space<hbm>>)
      tpu.yield
    }) : () -> ()
    %run_scoped3A_13 = arith.constant 1 : i32
    "tpu.region"() ({
      %run_scoped3A_16 = tpu.sem_alloc : memref<!tpu.dma_semaphore, #tpu.memory_space<semaphore_mem>>
      %dma_start3A = arith.constant 0 : i32
      %dma_start3A_17 = tpu.memref_slice %arg4[%add3A, %run_scoped3A_13, %dma_start3A] : memref<32x4x10240xf32, #tpu.memory_space<hbm>> -> memref<1x1x10240xf32, #tpu.memory_space<hbm>>
      %dma_start3A_18 = tpu.memref_squeeze %dma_start3A_17 : memref<1x1x10240xf32, #tpu.memory_space<hbm>> -> memref<10240xf32, #tpu.memory_space<hbm>>
      %dma_start3A_19 = arith.constant 0 : i32
      %dma_start3A_20 = tpu.memref_slice %arg4[%add3A, %run_scoped3A_13, %dma_start3A_19] : memref<32x4x10240xf32, #tpu.memory_space<hbm>> -> memref<1x1x10240xf32, #tpu.memory_space<hbm>>
      %dma_start3A_21 = tpu.memref_squeeze %dma_start3A_20 : memref<1x1x10240xf32, #tpu.memory_space<hbm>> -> memref<10240xf32, #tpu.memory_space<hbm>>
      tpu.enqueue_dma source(%arg8 : memref<10240xf32, #tpu.memory_space<vmem>>) target(%dma_start3A_21 : memref<10240xf32, #tpu.memory_space<hbm>>) target_semaphore(%run_scoped3A_16 : memref<!tpu.dma_semaphore, #tpu.memory_space<semaphore_mem>>)
      %dma_wait3A = arith.constant 0 : i32
      %dma_wait3A_22 = tpu.memref_slice %arg4[%add3A, %run_scoped3A_13, %dma_wait3A] : memref<32x4x10240xf32, #tpu.memory_space<hbm>> -> memref<1x1x10240xf32, #tpu.memory_space<hbm>>
      %dma_wait3A_23 = tpu.memref_squeeze %dma_wait3A_22 : memref<1x1x10240xf32, #tpu.memory_space<hbm>> -> memref<10240xf32, #tpu.memory_space<hbm>>
      %dma_wait3A_24 = arith.constant 0 : i32
      %dma_wait3A_25 = tpu.memref_slice %arg4[%add3A, %run_scoped3A_13, %dma_wait3A_24] : memref<32x4x10240xf32, #tpu.memory_space<hbm>> -> memref<1x1x10240xf32, #tpu.memory_space<hbm>>
      %dma_wait3A_26 = tpu.memref_squeeze %dma_wait3A_25 : memref<1x1x10240xf32, #tpu.memory_space<hbm>> -> memref<10240xf32, #tpu.memory_space<hbm>>
      tpu.wait_dma2 semaphore(%run_scoped3A_16 : memref<!tpu.dma_semaphore, #tpu.memory_space<semaphore_mem>>) src(%arg8 : memref<10240xf32, #tpu.memory_space<vmem>>) dst(%dma_wait3A_26 : memref<10240xf32, #tpu.memory_space<hbm>>)
      tpu.yield
    }) : () -> ()
    %run_scoped3A_14 = arith.constant 2 : i32
    "tpu.region"() ({
      %run_scoped3A_16 = tpu.sem_alloc : memref<!tpu.dma_semaphore, #tpu.memory_space<semaphore_mem>>
      %dma_start3A = arith.constant 0 : i32
      %dma_start3A_17 = tpu.memref_slice %arg4[%add3A, %run_scoped3A_14, %dma_start3A] : memref<32x4x10240xf32, #tpu.memory_space<hbm>> -> memref<1x1x10240xf32, #tpu.memory_space<hbm>>
      %dma_start3A_18 = tpu.memref_squeeze %dma_start3A_17 : memref<1x1x10240xf32, #tpu.memory_space<hbm>> -> memref<10240xf32, #tpu.memory_space<hbm>>
      %dma_start3A_19 = arith.constant 0 : i32
      %dma_start3A_20 = tpu.memref_slice %arg4[%add3A, %run_scoped3A_14, %dma_start3A_19] : memref<32x4x10240xf32, #tpu.memory_space<hbm>> -> memref<1x1x10240xf32, #tpu.memory_space<hbm>>
      %dma_start3A_21 = tpu.memref_squeeze %dma_start3A_20 : memref<1x1x10240xf32, #tpu.memory_space<hbm>> -> memref<10240xf32, #tpu.memory_space<hbm>>
      tpu.enqueue_dma source(%arg9 : memref<10240xf32, #tpu.memory_space<vmem>>) target(%dma_start3A_21 : memref<10240xf32, #tpu.memory_space<hbm>>) target_semaphore(%run_scoped3A_16 : memref<!tpu.dma_semaphore, #tpu.memory_space<semaphore_mem>>)
      %dma_wait3A = arith.constant 0 : i32
      %dma_wait3A_22 = tpu.memref_slice %arg4[%add3A, %run_scoped3A_14, %dma_wait3A] : memref<32x4x10240xf32, #tpu.memory_space<hbm>> -> memref<1x1x10240xf32, #tpu.memory_space<hbm>>
      %dma_wait3A_23 = tpu.memref_squeeze %dma_wait3A_22 : memref<1x1x10240xf32, #tpu.memory_space<hbm>> -> memref<10240xf32, #tpu.memory_space<hbm>>
      %dma_wait3A_24 = arith.constant 0 : i32
      %dma_wait3A_25 = tpu.memref_slice %arg4[%add3A, %run_scoped3A_14, %dma_wait3A_24] : memref<32x4x10240xf32, #tpu.memory_space<hbm>> -> memref<1x1x10240xf32, #tpu.memory_space<hbm>>
      %dma_wait3A_26 = tpu.memref_squeeze %dma_wait3A_25 : memref<1x1x10240xf32, #tpu.memory_space<hbm>> -> memref<10240xf32, #tpu.memory_space<hbm>>
      tpu.wait_dma2 semaphore(%run_scoped3A_16 : memref<!tpu.dma_semaphore, #tpu.memory_space<semaphore_mem>>) src(%arg9 : memref<10240xf32, #tpu.memory_space<vmem>>) dst(%dma_wait3A_26 : memref<10240xf32, #tpu.memory_space<hbm>>)
      tpu.yield
    }) : () -> ()
    %run_scoped3A_15 = arith.constant 3 : i32
    "tpu.region"() ({
      %run_scoped3A_16 = tpu.sem_alloc : memref<!tpu.dma_semaphore, #tpu.memory_space<semaphore_mem>>
      %dma_start3A = arith.constant 0 : i32
      %dma_start3A_17 = tpu.memref_slice %arg4[%add3A, %run_scoped3A_15, %dma_start3A] : memref<32x4x10240xf32, #tpu.memory_space<hbm>> -> memref<1x1x10240xf32, #tpu.memory_space<hbm>>
      %dma_start3A_18 = tpu.memref_squeeze %dma_start3A_17 : memref<1x1x10240xf32, #tpu.memory_space<hbm>> -> memref<10240xf32, #tpu.memory_space<hbm>>
      %dma_start3A_19 = arith.constant 0 : i32
      %dma_start3A_20 = tpu.memref_slice %arg4[%add3A, %run_scoped3A_15, %dma_start3A_19] : memref<32x4x10240xf32, #tpu.memory_space<hbm>> -> memref<1x1x10240xf32, #tpu.memory_space<hbm>>
      %dma_start3A_21 = tpu.memref_squeeze %dma_start3A_20 : memref<1x1x10240xf32, #tpu.memory_space<hbm>> -> memref<10240xf32, #tpu.memory_space<hbm>>
      tpu.enqueue_dma source(%arg10 : memref<10240xf32, #tpu.memory_space<vmem>>) target(%dma_start3A_21 : memref<10240xf32, #tpu.memory_space<hbm>>) target_semaphore(%run_scoped3A_16 : memref<!tpu.dma_semaphore, #tpu.memory_space<semaphore_mem>>)
      %dma_wait3A = arith.constant 0 : i32
      %dma_wait3A_22 = tpu.memref_slice %arg4[%add3A, %run_scoped3A_15, %dma_wait3A] : memref<32x4x10240xf32, #tpu.memory_space<hbm>> -> memref<1x1x10240xf32, #tpu.memory_space<hbm>>
      %dma_wait3A_23 = tpu.memref_squeeze %dma_wait3A_22 : memref<1x1x10240xf32, #tpu.memory_space<hbm>> -> memref<10240xf32, #tpu.memory_space<hbm>>
      %dma_wait3A_24 = arith.constant 0 : i32
      %dma_wait3A_25 = tpu.memref_slice %arg4[%add3A, %run_scoped3A_15, %dma_wait3A_24] : memref<32x4x10240xf32, #tpu.memory_space<hbm>> -> memref<1x1x10240xf32, #tpu.memory_space<hbm>>
      %dma_wait3A_26 = tpu.memref_squeeze %dma_wait3A_25 : memref<1x1x10240xf32, #tpu.memory_space<hbm>> -> memref<10240xf32, #tpu.memory_space<hbm>>
      tpu.wait_dma2 semaphore(%run_scoped3A_16 : memref<!tpu.dma_semaphore, #tpu.memory_space<semaphore_mem>>) src(%arg10 : memref<10240xf32, #tpu.memory_space<vmem>>) dst(%dma_wait3A_26 : memref<10240xf32, #tpu.memory_space<hbm>>)
      tpu.yield
    }) : () -> ()
    return
  }
}

module attributes {stable_mosaic.version = 14 : i64} {
  func.func @_mm_scale_body(%arg0: i32, %arg1: memref<512x128xf32, #tpu.memory_space<vmem>>, %arg2: memref<128x128xf32, #tpu.memory_space<vmem>>, %arg3: memref<32x2x512xf32, #tpu.memory_space<vmem>>, %arg4: memref<64x512xi32, #tpu.memory_space<vmem>>) attributes {dimension_semantics = [#tpu.dimension_semantics<arbitrary>], iteration_bounds = array<i64: 20>, scalar_prefetch = 0 : i64, scratch_operands = 0 : i64, tpu.core_type = #tpu.core_type<tc>, window_params = [{transform_indices = @transform_0, window_bounds = array<i64: 512, 128>}, {pipeline_mode = #tpu.pipeline_mode<synchronous>, transform_indices = @transform_1, window_bounds = array<i64: 128, 128>}, {transform_indices = @transform_2, window_bounds = array<i64: 32, 2, 512>}, {transform_indices = @transform_3, window_bounds = array<i64: 64, 512>}]} {
    %get3A = arith.constant 0 : index
    %get3A_0 = arith.constant 0 : index
    %get3A_1 = arith.constant 0 : index
    %get3A_2 = vector.load %arg3[%get3A, %get3A_0, %get3A_1] : memref<32x2x512xf32, #tpu.memory_space<vmem>>, vector<32x2x512xf32>
    %reduce_sum3A = arith.constant dense<0.000000e+00> : vector<2x512xf32>
    %reduce_sum3A_3 = vector.multi_reduction <add>, %get3A_2, %reduce_sum3A [0] : vector<32x2x512xf32> to vector<2x512xf32>
    %max3A = arith.constant 1.000000e+00 : f32
    %max3A_4 = vector.broadcast %max3A : f32 to vector<2x512xf32>
    %max3A_5 = arith.maximumf %reduce_sum3A_3, %max3A_4 : vector<2x512xf32>
    %rsqrt3A = math.rsqrt %max3A_5 : vector<2x512xf32>
    %slice3A = vector.extract_strided_slice %rsqrt3A {offsets = [0, 0], sizes = [1, 512], strides = [1, 1]} : vector<2x512xf32> to vector<1x512xf32>
    %get3A_6 = arith.constant 0 : index
    %get3A_7 = arith.constant 0 : index
    %get3A_8 = vector.load %arg2[%get3A_6, %get3A_7] : memref<128x128xf32, #tpu.memory_space<vmem>>, vector<128x128xf32>
    %get3A_9 = arith.constant 0 : index
    %get3A_10 = arith.constant 0 : index
    %get3A_11 = vector.load %arg1[%get3A_9, %get3A_10] : memref<512x128xf32, #tpu.memory_space<vmem>>, vector<512x128xf32>
    %dot_general3A = arith.constant dense<0.000000e+00> : vector<128x512xf32>
    %dot_general3A_12 = tpu.matmul %get3A_8, %get3A_11, %dot_general3A {dimension_numbers = #tpu.dot_dimension_numbers<[0], [1], [1], [0], [0, 1, 1, 0], [], []>, transpose_lhs_hint = false} : vector<128x128xf32>, vector<512x128xf32>, vector<128x512xf32> -> vector<128x512xf32>
    %mul3A = vector.broadcast %slice3A : vector<1x512xf32> to vector<128x512xf32>
    %mul3A_13 = arith.mulf %dot_general3A_12, %mul3A : vector<128x512xf32>
    %bitcast_convert_type3A = tpu.bitcast %mul3A_13 : vector<128x512xf32> -> vector<128x512xi32>
    %add3A = arith.constant 32768 : i32
    %add3A_14 = vector.broadcast %add3A : i32 to vector<128x512xi32>
    %add3A_15 = arith.addi %bitcast_convert_type3A, %add3A_14 : vector<128x512xi32>
    %shift_right_logical3A = arith.constant 16 : i32
    %shift_right_logical3A_16 = vector.broadcast %shift_right_logical3A : i32 to vector<128x512xi32>
    %shift_right_logical3A_17 = arith.shrui %add3A_15, %shift_right_logical3A_16 : vector<128x512xi32>
    %slice3A_18 = vector.extract_strided_slice %shift_right_logical3A_17 {offsets = [0, 0], sizes = [64, 512], strides = [1, 1]} : vector<128x512xi32> to vector<64x512xi32>
    %slice3A_19 = vector.extract_strided_slice %shift_right_logical3A_17 {offsets = [64, 0], sizes = [64, 512], strides = [1, 1]} : vector<128x512xi32> to vector<64x512xi32>
    %shift_left3A = arith.constant 16 : i32
    %shift_left3A_20 = vector.broadcast %shift_left3A : i32 to vector<64x512xi32>
    %shift_left3A_21 = arith.shli %slice3A_19, %shift_left3A_20 : vector<64x512xi32>
    %or3A = arith.ori %shift_left3A_21, %slice3A_18 : vector<64x512xi32>
    %swap3A = arith.constant 0 : index
    %swap3A_22 = arith.constant 0 : index
    %swap3A_23 = vector.load %arg4[%swap3A, %swap3A_22] : memref<64x512xi32, #tpu.memory_space<vmem>>, vector<64x512xi32>
    tpu.vector_store %arg4[%swap3A, %swap3A_22], %or3A {strides = array<i32>} : memref<64x512xi32, #tpu.memory_space<vmem>>, vector<64x512xi32>,
    return
  }
  func.func @transform_0(%arg0: i32) -> (i32, i32) {
    %c0_i32 = arith.constant 0 : i32
    %c0_i32_0 = arith.constant 0 : i32
    return %arg0, %c0_i32 : i32, i32
  }
  func.func @transform_1(%arg0: i32) -> (i32, i32) {
    %c0_i32 = arith.constant 0 : i32
    %c0_i32_0 = arith.constant 0 : i32
    %c0_i32_1 = arith.constant 0 : i32
    return %c0_i32, %c0_i32_0 : i32, i32
  }
  func.func @transform_2(%arg0: i32) -> (i32, i32, i32) {
    %c0_i32 = arith.constant 0 : i32
    %c0_i32_0 = arith.constant 0 : i32
    %c0_i32_1 = arith.constant 0 : i32
    return %c0_i32, %c0_i32_0, %arg0 : i32, i32, i32
  }
  func.func @transform_3(%arg0: i32) -> (i32, i32) {
    %c0_i32 = arith.constant 0 : i32
    %c0_i32_0 = arith.constant 0 : i32
    return %c0_i32, %arg0 : i32, i32
  }
}

module attributes {stable_mosaic.version = 14 : i64} {
  func.func @_post_mm_body(%arg0: i32, %arg1: memref<128x512xf32, #tpu.memory_space<vmem>>, %arg2: memref<32x2x512xf32, #tpu.memory_space<vmem>>, %arg3: memref<128x1xf32, #tpu.memory_space<vmem>>, %arg4: memref<128x128xf32, #tpu.memory_space<vmem>>, %arg5: memref<64x512xi32, #tpu.memory_space<vmem>>) attributes {dimension_semantics = [#tpu.dimension_semantics<arbitrary>], iteration_bounds = array<i64: 20>, scalar_prefetch = 0 : i64, scratch_operands = 0 : i64, tpu.core_type = #tpu.core_type<tc>, window_params = [{transform_indices = @transform_0, window_bounds = array<i64: 128, 512>}, {transform_indices = @transform_1, window_bounds = array<i64: 32, 2, 512>}, {pipeline_mode = #tpu.pipeline_mode<synchronous>, transform_indices = @transform_2, window_bounds = array<i64: 128, 1>}, {pipeline_mode = #tpu.pipeline_mode<synchronous>, transform_indices = @transform_3, window_bounds = array<i64: 128, 128>}, {transform_indices = @transform_4, window_bounds = array<i64: 64, 512>}]} {
    %get3A = arith.constant 0 : index
    %get3A_0 = arith.constant 0 : index
    %get3A_1 = arith.constant 0 : index
    %get3A_2 = vector.load %arg2[%get3A, %get3A_0, %get3A_1] : memref<32x2x512xf32, #tpu.memory_space<vmem>>, vector<32x2x512xf32>
    %reduce_sum3A = arith.constant dense<0.000000e+00> : vector<2x512xf32>
    %reduce_sum3A_3 = vector.multi_reduction <add>, %get3A_2, %reduce_sum3A [0] : vector<32x2x512xf32> to vector<2x512xf32>
    %max3A = arith.constant 1.000000e+00 : f32
    %max3A_4 = vector.broadcast %max3A : f32 to vector<2x512xf32>
    %max3A_5 = arith.maximumf %reduce_sum3A_3, %max3A_4 : vector<2x512xf32>
    %rsqrt3A = math.rsqrt %max3A_5 : vector<2x512xf32>
    %slice3A = vector.extract_strided_slice %rsqrt3A {offsets = [0, 0], sizes = [1, 512], strides = [1, 1]} : vector<2x512xf32> to vector<1x512xf32>
    %slice3A_6 = vector.extract_strided_slice %rsqrt3A {offsets = [1, 0], sizes = [1, 512], strides = [1, 1]} : vector<2x512xf32> to vector<1x512xf32>
    %get3A_7 = arith.constant 0 : index
    %get3A_8 = arith.constant 0 : index
    %get3A_9 = vector.load %arg1[%get3A_7, %get3A_8] : memref<128x512xf32, #tpu.memory_space<vmem>>, vector<128x512xf32>
    %mul3A = vector.broadcast %slice3A_6 : vector<1x512xf32> to vector<128x512xf32>
    %mul3A_10 = arith.mulf %get3A_9, %mul3A : vector<128x512xf32>
    %get3A_11 = arith.constant 0 : index
    %get3A_12 = arith.constant 0 : index
    %get3A_13 = vector.load %arg3[%get3A_11, %get3A_12] : memref<128x1xf32, #tpu.memory_space<vmem>>, vector<128x1xf32>
    %add3A = vector.broadcast %get3A_13 : vector<128x1xf32> to vector<128x512xf32>
    %add3A_14 = arith.addf %mul3A_10, %add3A : vector<128x512xf32>
    %max3A_15 = arith.constant 0.000000e+00 : f32
    %max3A_16 = vector.broadcast %max3A_15 : f32 to vector<128x512xf32>
    %max3A_17 = arith.maximumf %add3A_14, %max3A_16 : vector<128x512xf32>
    %get3A_18 = arith.constant 0 : index
    %get3A_19 = arith.constant 0 : index
    %get3A_20 = vector.load %arg4[%get3A_18, %get3A_19] : memref<128x128xf32, #tpu.memory_space<vmem>>, vector<128x128xf32>
    %dot_general3A = arith.constant dense<0.000000e+00> : vector<128x512xf32>
    %dot_general3A_21 = tpu.matmul %get3A_20, %max3A_17, %dot_general3A {dimension_numbers = #tpu.dot_dimension_numbers<[0], [0], [1], [1], [0, 1, 1, 1], [], []>, transpose_lhs_hint = false} : vector<128x128xf32>, vector<128x512xf32>, vector<128x512xf32> -> vector<128x512xf32>
    %mul3A_22 = vector.broadcast %slice3A : vector<1x512xf32> to vector<128x512xf32>
    %mul3A_23 = arith.mulf %dot_general3A_21, %mul3A_22 : vector<128x512xf32>
    %bitcast_convert_type3A = tpu.bitcast %mul3A_23 : vector<128x512xf32> -> vector<128x512xi32>
    %add3A_24 = arith.constant 32768 : i32
    %add3A_25 = vector.broadcast %add3A_24 : i32 to vector<128x512xi32>
    %add3A_26 = arith.addi %bitcast_convert_type3A, %add3A_25 : vector<128x512xi32>
    %shift_right_logical3A = arith.constant 16 : i32
    %shift_right_logical3A_27 = vector.broadcast %shift_right_logical3A : i32 to vector<128x512xi32>
    %shift_right_logical3A_28 = arith.shrui %add3A_26, %shift_right_logical3A_27 : vector<128x512xi32>
    %slice3A_29 = vector.extract_strided_slice %shift_right_logical3A_28 {offsets = [0, 0], sizes = [64, 512], strides = [1, 1]} : vector<128x512xi32> to vector<64x512xi32>
    %slice3A_30 = vector.extract_strided_slice %shift_right_logical3A_28 {offsets = [64, 0], sizes = [64, 512], strides = [1, 1]} : vector<128x512xi32> to vector<64x512xi32>
    %shift_left3A = arith.constant 16 : i32
    %shift_left3A_31 = vector.broadcast %shift_left3A : i32 to vector<64x512xi32>
    %shift_left3A_32 = arith.shli %slice3A_30, %shift_left3A_31 : vector<64x512xi32>
    %or3A = arith.ori %shift_left3A_32, %slice3A_29 : vector<64x512xi32>
    %swap3A = arith.constant 0 : index
    %swap3A_33 = arith.constant 0 : index
    %swap3A_34 = vector.load %arg5[%swap3A, %swap3A_33] : memref<64x512xi32, #tpu.memory_space<vmem>>, vector<64x512xi32>
    tpu.vector_store %arg5[%swap3A, %swap3A_33], %or3A {strides = array<i32>} : memref<64x512xi32, #tpu.memory_space<vmem>>, vector<64x512xi32>,
    return
  }
  func.func @transform_0(%arg0: i32) -> (i32, i32) {
    %c0_i32 = arith.constant 0 : i32
    %c0_i32_0 = arith.constant 0 : i32
    return %c0_i32, %arg0 : i32, i32
  }
  func.func @transform_1(%arg0: i32) -> (i32, i32, i32) {
    %c0_i32 = arith.constant 0 : i32
    %c0_i32_0 = arith.constant 0 : i32
    %c0_i32_1 = arith.constant 0 : i32
    return %c0_i32, %c0_i32_0, %arg0 : i32, i32, i32
  }
  func.func @transform_2(%arg0: i32) -> (i32, i32) {
    %c0_i32 = arith.constant 0 : i32
    %c0_i32_0 = arith.constant 0 : i32
    %c0_i32_1 = arith.constant 0 : i32
    return %c0_i32, %c0_i32_0 : i32, i32
  }
  func.func @transform_3(%arg0: i32) -> (i32, i32) {
    %c0_i32 = arith.constant 0 : i32
    %c0_i32_0 = arith.constant 0 : i32
    %c0_i32_1 = arith.constant 0 : i32
    return %c0_i32, %c0_i32_0 : i32, i32
  }
  func.func @transform_4(%arg0: i32) -> (i32, i32) {
    %c0_i32 = arith.constant 0 : i32
    %c0_i32_0 = arith.constant 0 : i32
    return %c0_i32, %arg0 : i32, i32
  }
}

module attributes {stable_mosaic.version = 14 : i64} {
  func.func @readout_body(%arg0: i32, %arg1: memref<128x512xf32, #tpu.memory_space<vmem>>, %arg2: memref<32x2x512xf32, #tpu.memory_space<vmem>>, %arg3: memref<128x1xf32, #tpu.memory_space<vmem>>, %arg4: memref<128x10xf32, #tpu.memory_space<vmem>>, %arg5: memref<1x10xf32, #tpu.memory_space<vmem>>, %arg6: memref<128x1xf32, #tpu.memory_space<vmem>>) attributes {dimension_semantics = [#tpu.dimension_semantics<arbitrary>], iteration_bounds = array<i64: 20>, scalar_prefetch = 0 : i64, scratch_operands = 1 : i64, tpu.core_type = #tpu.core_type<tc>, window_params = [{transform_indices = @transform_0, window_bounds = array<i64: 128, 512>}, {transform_indices = @transform_1, window_bounds = array<i64: 32, 2, 512>}, {pipeline_mode = #tpu.pipeline_mode<synchronous>, transform_indices = @transform_2, window_bounds = array<i64: 128, 1>}, {pipeline_mode = #tpu.pipeline_mode<synchronous>, transform_indices = @transform_3, window_bounds = array<i64: 128, 10>}, {pipeline_mode = #tpu.pipeline_mode<synchronous>, transform_indices = @transform_4, window_bounds = array<i64: 1, 10>}]} {
    %get3A = arith.constant 0 : index
    %get3A_0 = arith.constant 0 : index
    %get3A_1 = arith.constant 0 : index
    %get3A_2 = vector.load %arg2[%get3A, %get3A_0, %get3A_1] : memref<32x2x512xf32, #tpu.memory_space<vmem>>, vector<32x2x512xf32>
    %reduce_sum3A = arith.constant dense<0.000000e+00> : vector<2x512xf32>
    %reduce_sum3A_3 = vector.multi_reduction <add>, %get3A_2, %reduce_sum3A [0] : vector<32x2x512xf32> to vector<2x512xf32>
    %max3A = arith.constant 1.000000e+00 : f32
    %max3A_4 = vector.broadcast %max3A : f32 to vector<2x512xf32>
    %max3A_5 = arith.maximumf %reduce_sum3A_3, %max3A_4 : vector<2x512xf32>
    %rsqrt3A = math.rsqrt %max3A_5 : vector<2x512xf32>
    %slice3A = vector.extract_strided_slice %rsqrt3A {offsets = [1, 0], sizes = [1, 512], strides = [1, 1]} : vector<2x512xf32> to vector<1x512xf32>
    %get3A_6 = arith.constant 0 : index
    %get3A_7 = arith.constant 0 : index
    %get3A_8 = vector.load %arg1[%get3A_6, %get3A_7] : memref<128x512xf32, #tpu.memory_space<vmem>>, vector<128x512xf32>
    %mul3A = vector.broadcast %slice3A : vector<1x512xf32> to vector<128x512xf32>
    %mul3A_9 = arith.mulf %get3A_8, %mul3A : vector<128x512xf32>
    %get3A_10 = arith.constant 0 : index
    %get3A_11 = arith.constant 0 : index
    %get3A_12 = vector.load %arg3[%get3A_10, %get3A_11] : memref<128x1xf32, #tpu.memory_space<vmem>>, vector<128x1xf32>
    %add3A = vector.broadcast %get3A_12 : vector<128x1xf32> to vector<128x512xf32>
    %add3A_13 = arith.addf %mul3A_9, %add3A : vector<128x512xf32>
    %max3A_14 = arith.constant 0.000000e+00 : f32
    %max3A_15 = vector.broadcast %max3A_14 : f32 to vector<128x512xf32>
    %max3A_16 = arith.maximumf %add3A_13, %max3A_15 : vector<128x512xf32>
    %mul3A_17 = arith.constant 512 : i32
    %mul3A_18 = arith.muli %arg0, %mul3A_17 : i32
    %iota3A = tpu.iota {dimensions = array<i32: 1>} : vector<128x512xi32>
    %add3A_19 = vector.broadcast %mul3A_18 : i32 to vector<128x512xi32>
    %add3A_20 = arith.addi %add3A_19, %iota3A : vector<128x512xi32>
    %lt3A = arith.constant 10000 : i32
    %lt3A_21 = vector.broadcast %lt3A : i32 to vector<128x512xi32>
    %lt3A_22 = arith.cmpi slt, %add3A_20, %lt3A_21 : vector<128x512xi32>
    %jit3A = arith.constant 0.000000e+00 : f32
    %broadcast_in_dim3A = vector.broadcast %jit3A : f32 to vector<128x512xf32>
    %select_n3A = arith.select %lt3A_22, %max3A_16, %broadcast_in_dim3A : vector<128x512xi1>, vector<128x512xf32>
    %reduce_sum3A_23 = arith.constant dense<0.000000e+00> : vector<128xf32>
    %reduce_sum3A_24 = vector.multi_reduction <add>, %select_n3A, %reduce_sum3A_23 [1] : vector<128x512xf32> to vector<128xf32>
    %broadcast_in_dim3A_25 = vector.shape_cast %reduce_sum3A_24 : vector<128xf32> to vector<128x1xf32>
    %eq3A = arith.constant 0 : i32
    %eq3A_26 = arith.cmpi eq, %arg0, %eq3A : i32
    %convert_element_type3A = arith.extui %eq3A_26 : i1 to i32
    %cond3A = arith.constant 0 : i32
    %cond3A_27 = arith.cmpi ne, %convert_element_type3A, %cond3A : i32
    scf.if %cond3A_27 {
      %swap3A = arith.constant 0 : index
      %swap3A_37 = arith.constant 0 : index
      %swap3A_38 = vector.load %arg6[%swap3A, %swap3A_37] : memref<128x1xf32, #tpu.memory_space<vmem>>, vector<128x1xf32>
      tpu.vector_store %arg6[%swap3A, %swap3A_37], %broadcast_in_dim3A_25 {strides = array<i32>} : memref<128x1xf32, #tpu.memory_space<vmem>>, vector<128x1xf32>,
    } else {
    }
    %gt3A = arith.constant 0 : i32
    %gt3A_28 = arith.cmpi sgt, %arg0, %gt3A : i32
    %convert_element_type3A_29 = arith.extui %gt3A_28 : i1 to i32
    %cond3A_30 = arith.constant 0 : i32
    %cond3A_31 = arith.cmpi ne, %convert_element_type3A_29, %cond3A_30 : i32
    scf.if %cond3A_31 {
      %get3A_37 = arith.constant 0 : index
      %get3A_38 = arith.constant 0 : index
      %get3A_39 = vector.load %arg6[%get3A_37, %get3A_38] : memref<128x1xf32, #tpu.memory_space<vmem>>, vector<128x1xf32>
      %add3A_40 = arith.addf %get3A_39, %broadcast_in_dim3A_25 : vector<128x1xf32>
      %swap3A = arith.constant 0 : index
      %swap3A_41 = arith.constant 0 : index
      %swap3A_42 = vector.load %arg6[%swap3A, %swap3A_41] : memref<128x1xf32, #tpu.memory_space<vmem>>, vector<128x1xf32>
      tpu.vector_store %arg6[%swap3A, %swap3A_41], %add3A_40 {strides = array<i32>} : memref<128x1xf32, #tpu.memory_space<vmem>>, vector<128x1xf32>,
    } else {
    }
    %eq3A_32 = arith.constant 19 : i32
    %eq3A_33 = arith.cmpi eq, %arg0, %eq3A_32 : i32
    %convert_element_type3A_34 = arith.extui %eq3A_33 : i1 to i32
    %cond3A_35 = arith.constant 0 : i32
    %cond3A_36 = arith.cmpi ne, %convert_element_type3A_34, %cond3A_35 : i32
    scf.if %cond3A_36 {
      %get3A_37 = arith.constant 0 : index
      %get3A_38 = arith.constant 0 : index
      %get3A_39 = vector.load %arg6[%get3A_37, %get3A_38] : memref<128x1xf32, #tpu.memory_space<vmem>>, vector<128x1xf32>
      %div3A = arith.constant 1.000000e+04 : f32
      %div3A_40 = vector.broadcast %div3A : f32 to vector<128x1xf32>
      %div3A_41 = arith.divf %get3A_39, %div3A_40 : vector<128x1xf32>
      %get3A_42 = arith.constant 0 : index
      %get3A_43 = arith.constant 0 : index
      %get3A_44 = vector.load %arg4[%get3A_42, %get3A_43] : memref<128x10xf32, #tpu.memory_space<vmem>>, vector<128x10xf32>
      %dot_general3A = arith.constant dense<0.000000e+00> : vector<1x10xf32>
      %dot_general3A_45 = tpu.matmul %div3A_41, %get3A_44, %dot_general3A {dimension_numbers = #tpu.dot_dimension_numbers<[0], [0], [1], [1], [0, 1, 1, 1], [], []>, transpose_lhs_hint = false} : vector<128x1xf32>, vector<128x10xf32>, vector<1x10xf32> -> vector<1x10xf32>
      %swap3A = arith.constant 0 : index
      %swap3A_46 = arith.constant 0 : index
      %swap3A_47 = vector.load %arg5[%swap3A, %swap3A_46] : memref<1x10xf32, #tpu.memory_space<vmem>>, vector<1x10xf32>
      tpu.vector_store %arg5[%swap3A, %swap3A_46], %dot_general3A_45 {strides = array<i32>} : memref<1x10xf32, #tpu.memory_space<vmem>>, vector<1x10xf32>,
    } else {
    }
    return
  }
  func.func @transform_0(%arg0: i32) -> (i32, i32) {
    %c0_i32 = arith.constant 0 : i32
    %c0_i32_0 = arith.constant 0 : i32
    return %c0_i32, %arg0 : i32, i32
  }
  func.func @transform_1(%arg0: i32) -> (i32, i32, i32) {
    %c0_i32 = arith.constant 0 : i32
    %c0_i32_0 = arith.constant 0 : i32
    %c0_i32_1 = arith.constant 0 : i32
    return %c0_i32, %c0_i32_0, %arg0 : i32, i32, i32
  }
  func.func @transform_2(%arg0: i32) -> (i32, i32) {
    %c0_i32 = arith.constant 0 : i32
    %c0_i32_0 = arith.constant 0 : i32
    %c0_i32_1 = arith.constant 0 : i32
    return %c0_i32, %c0_i32_0 : i32, i32
  }
  func.func @transform_3(%arg0: i32) -> (i32, i32) {
    %c0_i32 = arith.constant 0 : i32
    %c0_i32_0 = arith.constant 0 : i32
    %c0_i32_1 = arith.constant 0 : i32
    return %c0_i32, %c0_i32_0 : i32, i32
  }
  func.func @transform_4(%arg0: i32) -> (i32, i32) {
    %c0_i32 = arith.constant 0 : i32
    %c0_i32_0 = arith.constant 0 : i32
    %c0_i32_1 = arith.constant 0 : i32
    return %c0_i32, %c0_i32_0 : i32, i32
  }
}

</mosaic_0001>

<sc_bundles>
// kernel: kernel.11.cloned.1.call-start
scs
__scs_entry_jumppad:
0x0: {  	(pc) =	sbr.rel $0x88, $3  }
0x1: {  	(tag) =	ssettag $0x0;
	lr =	simm.s32 $0x1  }
0x2: {  	[smem:$0x3F9A] =	sst lr;
	_ =	strace $0xD0000000  }
0x3: {  	_ = 	snop  }
0x4: {  	_ = 	snop  }
0x5: {  	_ = 	snop  }
0x6: {  	_ = 	snop  }
0x7: {  	_ = 	snop  }
__scs_overlays_trampoline_lowered:
0x8: {  	[smem:$0x3FA9] =	sst s0  }
0x9: {  	[smem:$0x3FAA] =	sst s1  }
0xa: {  	[smem:$0x3FAB] =	sst s2  }
0xb: {  	[smem:$0x3FAC] =	sst s3  }
0xc: {  	[smem:$0x3FAD] =	sst s4  }
0xd: {  	[smem:$0x3FAE] =	sst s5  }
0xe: {  	[smem:$0x3FAF] =	sst s6  }
0xf: {  	[smem:$0x3FB0] =	sst s7  }
0x10: {  	[smem:$0x3FB1] =	sst s8  }
0x11: {  	[smem:$0x3FB2] =	sst s9;
	s0 =	simm.s32 @!p0 $0x0  }
0x12: {  	s1 =	sld [smem:$0x3F98];
	s0 =	simm.s32 @p0 $0x1  }
0x13: {  	[smem:$0x3FB3] =	sst s0;
	s0 =	simm.s32 @!p1 $0x0  }
0x14: {  	s2 =	sld [smem:$0x3F97];
	s0 =	simm.s32 @p1 $0x1  }
0x15: {  	[smem:$0x3FB4] =	sst s0;
	s0 =	simm.s32 @!p2 $0x0  }
0x16: {  	s3 =	sld [smem:$0x3FDB];
	s0 =	simm.s32 @p2 $0x1  }
0x17: {  	s4 =	simm.s32 $0x1BF5;
	[smem:$0x3FB6] =	sst s0  }
0x18: {  	s0 =	sld [smem:$0x3F99];
	_ =	swait.ge [sflag:s4], $0x0  }
0x19: {  	s7 =	sld [smem:$0x3F9A]  }
0x1a: {  	s8 =	sadd.s32 $0xFFFFE003, lr  }
0x1b: {  	s9 =	sadd.s32 $0xFFFFFEF7, lr;
	s5 =	simm.s32 $0xFFFFFFFF;
	p2 =	slt.u32 s8, $0xFFFFF086  }
0x1c: {  	p1 =	slt.u32 s9, $0xF7A;
	s5 =	simm.s32 @!p2 $0x0  }
0x1d: {  	s5 =	simm.s32 @p1 $0x1;
	p0 =	seq.s32 s7, s2  }
0x1e: {  	s7 =	smul.u32 @!p0 $0xF7A, s2;
	p2 =	seq.s32 @!p0 s5, $0x0  }
0x1f: {  	s9 =	smul.u32 $0xF7A, s1;
	s8 =	simm.s32 @!p0 $0x1BF5;
	p2 =	por !p2, p0  }
0x20: {  	[sflag:s8] =	ssyncset.s32 @!p0 $0xFFFFF086;
	s6 =	sadd.s32 @!p0 s3, s7;
	s7 =	simm.s32 @!p0 $0x108  }
0x21: {  	s3 =	sadd.s32 s3, s9;
	s6 =	sadd.s32 @!p0 $0x88, s6;
	s7 =	simm.s32 @p2 $0x1082  }
0x22: {  	[simem:s7], [sflag:s8] =	dma.local @!p0 [hbm:s6], $0xF7A  }
0x23: {  	s9 =	sor.u32 $0xD0000000, s2;
	s6 =	simm.s32 $0x108;
	_ =	swait.ge @!p0 [sflag:s8], $0x0  }
0x24: {  	s3 =	sadd.s32 $0x88, s3;
	s6 =	simm.s32 @!p1 $0x1082;
	[sflag:s4] =	ssyncset.s32 $0xFFFFF086  }
0x25: {  	[simem:s6], [sflag:s4] =	dma.local [hbm:s3], $0xF7A  }
0x26: {  	[smem:$0x3F9A] =	sst s1;
	(tag) =	ssettag s2;
	_ =	strace s9  }
0x27: {  	s1 =	sld [smem:$0x3FAA]  }
0x28: {  	s2 =	sld [smem:$0x3FAB]  }
0x29: {  	s4 =	sld [smem:$0x3FAD]  }
0x2a: {  	p0 =	seq.s32 s5, $0x0;
	s5 =	sld [smem:$0x3FAE]  }
0x2b: {  	s6 =	sld [smem:$0x3FAF]  }
0x2c: {  	s7 =	sld [smem:$0x3FB0]  }
0x2d: {  	s3 =	simm.s32 $0x108;
	s8 =	sld [smem:$0x3FB1]  }
0x2e: {  	s3 =	simm.s32 @!p0 $0x1082;
	s9 =	sld [smem:$0x3FB2]  }
0x2f: {  	lr =	sadd.s32 s0, s3;
	s0 =	sld [smem:$0x3FA9]  }
0x30: {  	s3 =	sld [smem:$0x3FAC]  }
0x31: {  	[smem:$0x3FB5] =	sst s10  }
0x32: {  	s10 =	sld [smem:$0x3FB3];
	_ =	sdelay $0x3  }
0x33: {  	p0 =	seq.s32 s10, $0x1;
	s10 =	sld [smem:$0x3FB5];
	_ =	sdelay $0x3  }
0x34: {  	[smem:$0x3FB5] =	sst s10  }
0x35: {  	s10 =	sld [smem:$0x3FB4];
	_ =	sdelay $0x3  }
0x36: {  	p1 =	seq.s32 s10, $0x1;
	s10 =	sld [smem:$0x3FB5];
	_ =	sdelay $0x3  }
0x37: {  	[smem:$0x3FB5] =	sst s10  }
0x38: {  	s10 =	sld [smem:$0x3FB6]  }
0x39: {  	_ = 	snop;
	(pc) =	sbr.ind lr, $3  }
0x3a: {  	_ = 	snop  }
0x3b: {  	_ = 	snop  }
0x3c: {  	p2 =	seq.s32 s10, $0x1;
	s10 =	sld [smem:$0x3FB5]  }
0x3d: {  	_ =	shalt  }
0x3e: {  	_ =	shalt  }
0x3f: {  	_ =	shalt  }
0x40: {  	_ =	shalt  }
0x41: {  	_ =	shalt  }
0x42: {  	_ =	shalt  }
0x43: {  	_ =	shalt  }
0x44: {  	_ =	shalt  }
0x45: {  	_ =	shalt  }
0x46: {  	_ =	shalt  }
0x47: {  	_ =	shalt  }
0x48: {  	_ =	shalt  }
0x49: {  	_ =	shalt  }
0x4a: {  	_ =	shalt  }
0x4b: {  	_ =	shalt  }
0x4c: {  	_ =	shalt  }
0x4d: {  	_ =	shalt  }
0x4e: {  	_ =	shalt  }
0x4f: {  	_ =	shalt  }
0x50: {  	_ =	shalt  }
0x51: {  	_ =	shalt  }
0x52: {  	_ =	shalt  }
0x53: {  	_ =	shalt  }
0x54: {  	_ =	shalt  }
0x55: {  	_ =	shalt  }
0x56: {  	_ =	shalt  }
0x57: {  	_ =	shalt  }
0x58: {  	_ =	shalt  }
0x59: {  	_ =	shalt  }
0x5a: {  	_ =	shalt  }
0x5b: {  	_ =	shalt  }
0x5c: {  	_ =	shalt  }
0x5d: {  	_ =	shalt  }
0x5e: {  	_ =	shalt  }
0x5f: {  	_ =	shalt  }
0x60: {  	_ =	shalt  }
0x61: {  	_ =	shalt  }
0x62: {  	_ =	shalt  }
0x63: {  	_ =	shalt  }
0x64: {  	_ =	shalt  }
0x65: {  	_ =	shalt  }
0x66: {  	_ =	shalt  }
0x67: {  	_ =	shalt  }
0x68: {  	_ =	shalt  }
0x69: {  	_ =	shalt  }
0x6a: {  	_ =	shalt  }
0x6b: {  	_ =	shalt  }
0x6c: {  	_ =	shalt  }
0x6d: {  	_ =	shalt  }
0x6e: {  	_ =	shalt  }
0x6f: {  	_ =	shalt  }
0x70: {  	_ =	shalt  }
0x71: {  	_ =	shalt  }
0x72: {  	_ =	shalt  }
0x73: {  	_ =	shalt  }
0x74: {  	_ =	shalt  }
0x75: {  	_ =	shalt  }
0x76: {  	_ =	shalt  }
0x77: {  	_ =	shalt  }
0x78: {  	_ =	shalt  }
0x79: {  	_ =	shalt  }
0x7a: {  	_ =	shalt  }
0x7b: {  	_ =	shalt  }
0x7c: {  	_ =	shalt  }
0x7d: {  	_ =	shalt  }
0x7e: {  	_ =	shalt  }
0x7f: {  	_ =	shalt  }
0x80: {  	_ =	shalt  }
0x81: {  	_ =	shalt  }
0x82: {  	_ =	shalt  }
0x83: {  	_ =	shalt  }
0x84: {  	_ =	shalt  }
0x85: {  	_ =	shalt  }
0x86: {  	_ =	shalt  }
0x87: {  	_ =	shalt  }
.Lfunc_end0:
.L_simem_size_0:
called_computation.1_lowered:
.L_overlay_start_0:
0x88: {  	s2 =	sld [smem:$0x3FD9]  }
0x89: {  	s3 =	sld [smem:$0x3FFE];
	_ =	sdelay $0x1  }
0x8a: {  	s1 =	srdreg.scid  }
0x8b: {  	s0 =	sand.u32 $0x1, s1  }
0x8c: {  	s16 =	sshll.u32 s0, $0xA;
	s2 =	sadd.s32 s3, s2  }
0x8d: {  	s2 =	sadd.s32 s2, s16  }
0x8e: {  	[smem:$0x3FC1] =	sst s2  }
0x8f: {  	_ = 	snop  }
0x90: {  	(tm) =	ssettm $0x1  }
0x91: {  	s17 =	sld [smem:$0x3FFB];
	_ =	sdelay $0x3  }
0x92: {  	_ =	strace s17  }
0x93: {  	s2 =	sld [smem:$0x3FFC];
	_ =	sdelay $0x3  }
0x94: {  	_ =	strace s2  }
0x95: {  	s2 =	sld [smem:$0x3FFD];
	_ =	sdelay $0x3  }
0x96: {  	_ =	strace s2  }
0x97: {  	_ =	strace $0x8FFFFFFF  }
0x98: {  	s18 =	sld [smem:$0x3FDB];
	_ =	sdelay $0x1  }
0x99: {  	s19 =	simm.s32 $_scs_section_size  }
0x9a: {  	s4 =	simm.s32 $_size__tile_overlayer_lowered;
	s5 =	simm.s32 $_tile_overlayer_lowered  }
0x9b: {  	s22 =	simm.s32 $0x1BFF;
	s21 =	sshll.u32 s5, $0x1;
	s2 =	sadd.s32 s19, s18  }
0x9c: {  	s6 =	simm.s32 $0x0;
	s20 =	sshll.u32 s4, $0x1;
	s4 =	sadd.s32 s21, s2  }
0x9d: {  	[timem:s6], [sflag:s22] =	dma.local [hbm:s4], s20  }
0x9e: {  	_ =	swait.ge [sflag:s22], s20  }
0x9f: {  	s3 =	ssub.s32 $0x0, s20;
	[sflag:s22] =	ssyncset.done $0x0  }
0xa0: {  	[sflag:s22] =	ssyncadd.s32 s3;
	_ =	sdelay $0x1  }
0xa1: {  	s23 =	simm.s32 $0x1B8B  }
0xa2: {  	_ =	swait.ge [sflag:s23], $0x1  }
0xa3: {  	[sflag:s23] =	ssyncset.done $0x0  }
0xa4: {  	s25 =	simm.s32 $0x1B8E;
	s24 =	sld [smem:$0x3FFE];
	[sflag:s23] =	ssyncadd.s32 $0xFFFFFFFF  }
0xa5: {  	s26 =	simm.s32 $execute0_lowered;
	[smem:$0x3FD2] =	sst s25  }
0xa6: {  	s4 =	sshll.u32 s26, $0x1;
	_ =	strace $0x80000049;
	[dreg:$0x1] =	wrdreg $0xFFFFFFFF  }
0xa7: {  	s28 =	simm.s32 $_size_execute0_lowered;
	s2 =	sadd.s32 s2, s4;
	[dreg:$0x0] =	wrdreg $0x0  }
0xa8: {  	s4 =	sshll.u32 s28, $0x1;
	[dreg:$0x2] =	wrdreg s2  }
0xa9: {  	[dreg:$0x3] =	wrdreg s4  }
0xaa: {  	[dreg:$0x4] =	wrdreg $0xC0  }
0xab: {  	_ =	task [dreg:s6], $0x5FFFF  }
0xac: {  	[dreg:$0x1] =	wrdreg $0xFFFFFFFF  }
0xad: {  	[dreg:$0x0] =	wrdreg $0x60  }
0xae: {  	[dreg:$0x2] =	wrdreg s24  }
0xaf: {  	[dreg:$0x3] =	wrdreg $0x9  }
0xb0: {  	_ =	task.clear_ibuf [dreg:s6], $0x4FFFF;
	_ =	strace $0x90000049  }
0xb1: {  	s29 =	simm.s32 $0x9;
	_ =	strace $0x8000004B  }
0xb2: {  	_ =	swait.ge [sflag:s29], $0x1  }
0xb3: {  	[sflag:s29] =	ssyncadd.s32 $0xFFFFFFFF  }
0xb4: {  	_ =	strace $0x9000004B  }
0xb5: {  	_ =	sfence  }
0xb6: {  	s30 =	sld [smem:$0x0];
	_ =	sdelay $0x2  }
0xb7: {  	s31 =	sshll.u32 s1, $0xD;
	s1 =	sshrl.u32 s1, $0x2  }
0xb8: {  	s3 =	sand.u32 $0x4000, s31;
	s1 =	sadd.s32 s1, s30  }
0xb9: {  	s0 =	sor.u32 s3, s0;
	s1 =	sshll.u32 s1, $0x11  }
0xba: {  	s0 =	sor.u32 s1, s0  }
0xbb: {  	s0 =	sadd.s32 $0x8F2B, s0  }
0xbc: {  	[sflag:s0] =	ssyncadd.remote.s32 $0x1  }
0xbd: {  	_ =	sfence.sel $0xFFFF  }
0xbe: {  	[dreg:$0x0] =	wrdreg $0xFFFFFFFF;
	(pc) =	sbr.abs _section_cstart, $3  }
0xbf: {  	[dreg:$0x1] =	wrdreg $0xFFFFFFFF  }
0xc0: {  	_ =	task.clear_ibuf [dreg:s6], $0x2FFFF;
	_ =	strace $0x9FFFFFFF  }
0xc1: {  	(tm) =	ssettm $0x7FFFFFFF  }
tec
execute0_lowered:
.L_overlay_start_1:
0x0: {  	(tag) =	ssettag $0x1  }
0x1: {  	s1 =	srdreg.scid  }
0x2: {  	s0 =	stileid.u32;
	s4 =	rddreg [dreg:$0x0]  }
0x3: {  	s2 =	simm.s32 $0x0;
	s11 =	simm.s32 $0x80;
	s12 =	simm.s32 $0x100  }
0x4: {  	s13 =	simm.s32 $0x2;
	s14 =	simm.s32 $0x2800;
	s15 =	simm.s32 $0xF000  }
0x5: {  	s16 =	simm.s32 $0x5000;
	s17 =	simm.s32 $0x7800;
	s18 =	simm.s32 $0xA000  }
0x6: {  	s19 =	simm.s32 $0xC800;
	s3 =	sand.u32 $0x1, s1;
	s31 =	sshll.u32 s0, $0x1  }
0x7: {  	s20 =	simm.s32 $0x200;
	s21 =	simm.s32 $0x0;
	s5 =	sor.u32 s3, s31  }
0x8: {  	s1 =	rddreg [dreg:$0x1];
	s7 =	ssub.s32 $0x2, s3;
	s6 =	smul.u32 $0xA00, s5  }
0x9: {  	[smem:$0x7FF] =	sst s2;
	s5 =	smul.u32 $0x1400, s5;
	s8 =	sshrl.u32 s7, $0x1  }
0xa: {  	_ =	strace $0x8000004A;
	s3 =	sadd.s32 $0x1A00, s4;
	s10 =	ssub.s32 s7, s8  }
0xb: {  	s6 =	sadd.s32 s6, s4;
	s9 =	sadd.s32 s5, s4;
	s10 =	smax.u32 s10, $0x1  }
0xc: {  	s4 =	sadd.s32 $0xBA00, s6;
	s5 =	sadd.s32 $0xBA10, s6;
	s6 =	sadd.s32 $0x1FA00, s9  }
0xd: {  	v0 =	vimm.f32 $0.0e+00;
	s7 =	sadd.s32 $0x1FA10, s9;
	s8 =	sadd.s32 $0x1FA20, s9;
	s9 =	sadd.s32 $0x1FA30, s9  }
.LBB2_1:
0xe: {  	[tilespmem:s2], [sflag:$0x2] =	stream.strided.gather [hbm4b:s4+s11], $0x2800, s12, s11, $0x38;
	[tilespmem:$0x11000] =	vst v63  }
0xf: {  	_ =	swait.ge [sflag:s13], $0x2800  }
0x10: {  	[sflag:s13] =	ssyncset.done $0x0  }
0x11: {  	[sflag:s13] =	ssyncadd.s32 $0xFFFFD800  }
0x12: {  	[tilespmem:s14], [sflag:$0x2] =	stream.strided.gather [hbm4b:s5+s11], $0x2800, s12, s11, $0x38;
	[tilespmem:$0x11000] =	vst v63  }
0x13: {  	_ =	swait.ge [sflag:s13], $0x2800  }
0x14: {  	[sflag:s13] =	ssyncset.done $0x0  }
0x15: {  	s25 =	simm.s32 $0x5020;
	[sflag:s13] =	ssyncadd.s32 $0xFFFFD800  }
0x16: {  	[tilespmem:s25+$0xFFFFFFF0] =	vst v0  }
0x17: {  	[tilespmem:s25+$0x0] =	vst v0  }
0x18: {  	[tilespmem:s25+$0x10] =	vst v0  }
0x19: {  	s22 =	simm.s32 $0x7820;
	[tilespmem:s25+$0xFFFFFFE0] =	vst v0  }
0x1a: {  	[tilespmem:s22+$0xFFFFFFF0] =	vst v0  }
0x1b: {  	[tilespmem:s22+$0x0] =	vst v0  }
0x1c: {  	[tilespmem:s22+$0x10] =	vst v0  }
0x1d: {  	s23 =	simm.s32 $0xA020;
	[tilespmem:s22+$0xFFFFFFE0] =	vst v0  }
0x1e: {  	[tilespmem:s23+$0xFFFFFFF0] =	vst v0  }
0x1f: {  	[tilespmem:s23+$0x0] =	vst v0  }
0x20: {  	[tilespmem:s23+$0x10] =	vst v0  }
0x21: {  	s24 =	simm.s32 $0xC820;
	[tilespmem:s23+$0xFFFFFFE0] =	vst v0  }
0x22: {  	[tilespmem:s24+$0xFFFFFFF0] =	vst v0  }
0x23: {  	[tilespmem:s24+$0x0] =	vst v0  }
0x24: {  	[tilespmem:s24+$0x10] =	vst v0  }
0x25: {  	s26 =	simm.s32 $0x5060;
	s25 =	simm.s32 $0x0;
	[tilespmem:s24+$0xFFFFFFE0] =	vst v0  }
.LBB2_2:
0x26: {  	[tilespmem:s26+$0xFFFFFFF0] =	vst v0;
	s22 =	sadd.s32 $0x40, s22  }
0x27: {  	s23 =	sadd.s32 $0x40, s23;
	[tilespmem:s22+$0xFFFFFFF0] =	vst v0  }
0x28: {  	s24 =	sadd.s32 $0x40, s24;
	[tilespmem:s23+$0xFFFFFFF0] =	vst v0  }
0x29: {  	[tilespmem:s24+$0xFFFFFFF0] =	vst v0  }
0x2a: {  	[tilespmem:s26+$0x0] =	vst v0  }
0x2b: {  	[tilespmem:s22+$0x0] =	vst v0  }
0x2c: {  	[tilespmem:s23+$0x0] =	vst v0  }
0x2d: {  	[tilespmem:s24+$0x0] =	vst v0  }
0x2e: {  	[tilespmem:s26+$0x10] =	vst v0  }
0x2f: {  	s25 =	sadd.s32 $0x4, s25;
	[tilespmem:s22+$0x10] =	vst v0  }
0x30: {  	p0 =	slt.u32 s25, $0x27C;
	[tilespmem:s23+$0x10] =	vst v0  }
.Ltmp0:
0x31: {  	[tilespmem:s24+$0x10] =	vst v0;
	(pc) =	sbr.rel @p0 .LBB2_2-.Ltmp0, $4  }
0x32: {  	[tilespmem:s26+$0xFFFFFFE0] =	vst v0  }
0x33: {  	[tilespmem:s22+$0xFFFFFFE0] =	vst v0  }
0x34: {  	[tilespmem:s23+$0xFFFFFFE0] =	vst v0  }
0x35: {  	s26 =	sadd.s32 $0x40, s26;
	[tilespmem:s24+$0xFFFFFFE0] =	vst v0  }
0x36: {  	s22 =	simm.s32 $0x0  }
0x37: {  	[tilespmem:s15], [sflag:$0x2] =	stream.linear.gather [hbm4b:s3+s22], $0x1000, $0x38;
	[tilespmem:$0x11000] =	vst v63  }
0x38: {  	_ =	swait.ge [sflag:s13], $0x1000  }
0x39: {  	[sflag:s13] =	ssyncset.done $0x0  }
0x3a: {  	[sflag:s13] =	ssyncadd.s32 $0xFFFFF000  }
.LBB2_4:
0x3b: {  	p0 =	seq.s32 s22, $0x0  }
0x3c: {  	s23 =	simm.s32 @!p0 $0x1  }
0x3d: {  	p1 =	seq.s32 @!p0 s22, $0x4F;
	_ =	swait.ge @!p0 [sflag:s23], $0x1000  }
0x3e: {  	p1 =	por p0, !p1;
	[sflag:s23] =	ssyncset.done @!p0 $0x0  }
0x3f: {  	[sflag:s23] =	ssyncadd.s32 @!p0 $0xFFFFF000;
	s23 =	sadd.s32 @p1 $0x1, s22  }
0x40: {  	s24 =	sshll.u32 @p1 s23, $0xC  }
0x41: {  	s23 =	sshll.u32 @p1 s23, $0x9;
	s24 =	sand.u32 @p1 $0x1000, s24  }
0x42: {  	s28 =	sshll.u32 s22, $0xC;
	s23 =	sadd.s32 @p1 s3, s23;
	s24 =	sadd.s32 @p1 $0xF000, s24  }
0x43: {  	[tilespmem:s24], [sflag:$0x1] =	stream.linear.gather @p1 [hbm4b:s23+s2], $0x1000, $0x38;
	[tilespmem:$0x11000] =	vst v63  }
0x44: {  	s29 =	simm.s32 $0x0;
	s23 =	sand.u32 $0x1000, s28  }
0x45: {  	s25 =	sand.u32 $0xF80, s29;
	s23 =	sadd.s32 $0xF000, s23  }
0x46: {  	s24 =	sand.u32 $0x40, s29;
	s25 =	sadd.s32 s25, s23  }
0x47: {  	s24 =	sadd.s32 s24, s25  }
0x48: {  	v1 =	vld [tilespmem:s24+$0x30];
	_ =	sdelay $0x2  }
0x49: {  	v2 =	vld [tilespmem:s24+$0x0]  }
0x4a: {  	v3 =	vld [tilespmem:s24+$0x10]  }
0x4b: {  	v4 =	vld [tilespmem:s24+$0x20];
	v5 =	vand.u32 $0xFFFF, v1;
	_ =	sdelay $0x2  }
0x4c: {  	s30 =	simm.s32 $0x40;
	v6 =	vand.u32 $0xFFFF, v2  }
0x4d: {  	s31 =	sand.u32 $0xF80, s30;
	v8 =	vand.u32 $0xFFFF, v3  }
0x4e: {  	s25 =	sadd.s32 s31, s23;
	s24 =	sand.u32 $0x40, s30;
	v9 =	vand.u32 $0xFFFF, v4;
	v7 =	vld.idx.msk [tilespmem:v5+s2+$0x0], $0xffff  }
0x4f: {  	s24 =	sadd.s32 s24, s25;
	v10 =	vshrl.u32 v1, $0x10  }
0x50: {  	v15 =	vld [tilespmem:s24+$0x10]  }
0x51: {  	v11 =	vld.idx.msk [tilespmem:v6+s2+$0x0], $0xffff  }
0x52: {  	v13 =	vshrl.u32 v2, $0x10;
	v12 =	vld.idx.msk [tilespmem:v8+s2+$0x0], $0xffff  }
0x53: {  	v14 =	vld.idx.msk [tilespmem:v9+s2+$0x0], $0xffff;
	v2 =	vshll.u32 v7, $0x10  }
0x54: {  	v1 =	vshrl.u32 v3, $0x10;
	v3 =	vand.u32 $0xFFFF0000, v7;
	[tilespmem:v10+s16+$0x0] =	vst.idx.add.f32.msk $0xffff, v2  }
0x55: {  	[tilespmem:v10+s17+$0x0] =	vst.idx.add.f32.msk $0xffff, v3  }
0x56: {  	v2 =	vshrl.u32 v4, $0x10;
	v3 =	vshll.u32 v11, $0x10;
	v4 =	vld.idx.msk [tilespmem:v5+s14+$0x0], $0xffff  }
0x57: {  	[tilespmem:v13+s16+$0x0] =	vst.idx.add.f32.msk $0xffff, v3  }
0x58: {  	v5 =	vand.u32 $0xFFFF0000, v11;
	v11 =	vld [tilespmem:s24+$0x0]  }
0x59: {  	v3 =	vshll.u32 v12, $0x10;
	[tilespmem:v13+s17+$0x0] =	vst.idx.add.f32.msk $0xffff, v5  }
0x5a: {  	[tilespmem:v1+s16+$0x0] =	vst.idx.add.f32.msk $0xffff, v3;
	v3 =	vshll.u32 v14, $0x10  }
0x5b: {  	[tilespmem:v2+s16+$0x0] =	vst.idx.add.f32.msk $0xffff, v3  }
0x5c: {  	v5 =	vand.u32 $0xFFFF0000, v12;
	v3 =	vld [tilespmem:s24+$0x30]  }
0x5d: {  	[tilespmem:v1+s17+$0x0] =	vst.idx.add.f32.msk $0xffff, v5  }
0x5e: {  	v5 =	vand.u32 $0xFFFF0000, v14;
	v14 =	vld [tilespmem:s24+$0x20]  }
0x5f: {  	v7 =	vand.u32 $0xFFFF, v15;
	[tilespmem:v2+s17+$0x0] =	vst.idx.add.f32.msk $0xffff, v5;
	v5 =	vshll.u32 v4, $0x10  }
0x60: {  	v4 =	vand.u32 $0xFFFF0000, v4;
	[tilespmem:v10+s18+$0x0] =	vst.idx.add.f32.msk $0xffff, v5  }
0x61: {  	[tilespmem:v10+s19+$0x0] =	vst.idx.add.f32.msk $0xffff, v4;
	v16 =	vand.u32 $0xFFFF, v3  }
0x62: {  	v5 =	vand.u32 $0xFFFF, v11;
	v4 =	vld.idx.msk [tilespmem:v6+s14+$0x0], $0xffff  }
0x63: {  	v10 =	vld.idx.msk [tilespmem:v8+s14+$0x0], $0xffff;
	v8 =	vand.u32 $0xFFFF, v14  }
0x64: {  	v19 =	vld.idx.msk [tilespmem:v7+s2+$0x0], $0xffff  }
0x65: {  	v17 =	vld.idx.msk [tilespmem:v9+s14+$0x0], $0xffff  }
0x66: {  	v9 =	vld.idx.msk [tilespmem:v16+s2+$0x0], $0xffff  }
0x67: {  	v12 =	vshrl.u32 v3, $0x10;
	v18 =	vld.idx.msk [tilespmem:v5+s2+$0x0], $0xffff  }
0x68: {  	v3 =	vshll.u32 v4, $0x10;
	v20 =	vld.idx.msk [tilespmem:v8+s2+$0x0], $0xffff;
	v6 =	vand.u32 $0xFFFF0000, v4;
	v4 =	vshrl.u32 v11, $0x10  }
0x69: {  	[tilespmem:v13+s18+$0x0] =	vst.idx.add.f32.msk $0xffff, v3  }
0x6a: {  	v3 =	vshll.u32 v10, $0x10;
	[tilespmem:v13+s19+$0x0] =	vst.idx.add.f32.msk $0xffff, v6  }
0x6b: {  	[tilespmem:v1+s18+$0x0] =	vst.idx.add.f32.msk $0xffff, v3;
	v11 =	vshll.u32 v9, $0x10  }
0x6c: {  	v6 =	vshrl.u32 v15, $0x10;
	v3 =	vand.u32 $0xFFFF0000, v9;
	v9 =	vshll.u32 v18, $0x10;
	[tilespmem:v12+s16+$0x0] =	vst.idx.add.f32.msk $0xffff, v11  }
0x6d: {  	[tilespmem:v4+s16+$0x0] =	vst.idx.add.f32.msk $0xffff, v9  }
0x6e: {  	[tilespmem:v12+s17+$0x0] =	vst.idx.add.f32.msk $0xffff, v3;
	v3 =	vshrl.u32 v14, $0x10  }
0x6f: {  	v11 =	vand.u32 $0xFFFF0000, v18;
	v13 =	vld.idx.msk [tilespmem:v16+s14+$0x0], $0xffff  }
0x70: {  	v9 =	vshll.u32 v19, $0x10;
	[tilespmem:v4+s17+$0x0] =	vst.idx.add.f32.msk $0xffff, v11  }
0x71: {  	v11 =	vand.u32 $0xFFFF0000, v19;
	[tilespmem:v6+s16+$0x0] =	vst.idx.add.f32.msk $0xffff, v9  }
0x72: {  	v15 =	vshll.u32 v20, $0x10;
	v9 =	vand.u32 $0xFFFF0000, v10;
	[tilespmem:v6+s17+$0x0] =	vst.idx.add.f32.msk $0xffff, v11  }
0x73: {  	s25 =	simm.s32 $0x80;
	s24 =	simm.s32 $0x4;
	v10 =	vand.u32 $0xFFFF0000, v17;
	v14 =	vand.u32 $0xFFFF0000, v20;
	v11 =	vshll.u32 v17, $0x10;
	[tilespmem:v3+s16+$0x0] =	vst.idx.add.f32.msk $0xffff, v15  }
.LBB2_5:
0x74: {  	s26 =	sand.u32 $0xF80, s25;
	[tilespmem:v3+s17+$0x0] =	vst.idx.add.f32.msk $0xffff, v14;
	v14 =	vshll.u32 v13, $0x10  }
0x75: {  	s28 =	sand.u32 $0x40, s25;
	v13 =	vand.u32 $0xFFFF0000, v13;
	s26 =	sadd.s32 s26, s23;
	[tilespmem:v12+s18+$0x0] =	vst.idx.add.f32.msk $0xffff, v14  }
0x76: {  	s24 =	sadd.s32 $0x4, s24;
	s26 =	sadd.s32 s28, s26;
	[tilespmem:v12+s19+$0x0] =	vst.idx.add.f32.msk $0xffff, v13  }
0x77: {  	p0 =	slt.u32 s24, $0xFC;
	v12 =	vld [tilespmem:s26+$0x30]  }
0x78: {  	v13 =	vld [tilespmem:s26+$0x0]  }
0x79: {  	v14 =	vld [tilespmem:s26+$0x10]  }
0x7a: {  	v15 =	vld [tilespmem:s26+$0x20]  }
0x7b: {  	v16 =	vld.idx.msk [tilespmem:v5+s14+$0x0], $0xffff  }
0x7c: {  	v17 =	vand.u32 $0xFFFF, v12;
	v18 =	vld.idx.msk [tilespmem:v7+s14+$0x0], $0xffff  }
0x7d: {  	v19 =	vshrl.u32 v13, $0x10;
	v5 =	vand.u32 $0xFFFF, v13;
	v13 =	vld.idx.msk [tilespmem:v8+s14+$0x0], $0xffff  }
0x7e: {  	v7 =	vand.u32 $0xFFFF, v14;
	[tilespmem:v1+s19+$0x0] =	vst.idx.add.f32.msk $0xffff, v9;
	v1 =	vmov v6;
	v6 =	vshrl.u32 v14, $0x10  }
0x7f: {  	v9 =	vshrl.u32 v15, $0x10;
	v8 =	vand.u32 $0xFFFF, v15;
	[tilespmem:v2+s18+$0x0] =	vst.idx.add.f32.msk $0xffff, v11  }
0x80: {  	[tilespmem:v2+s19+$0x0] =	vst.idx.add.f32.msk $0xffff, v10;
	v2 =	vmov v3;
	v3 =	vmov v9  }
0x81: {  	v15 =	vshll.u32 v16, $0x10;
	v16 =	vand.u32 $0xFFFF0000, v16;
	v14 =	vld.idx.msk [tilespmem:v17+s2+$0x0], $0xffff  }
0x82: {  	v21 =	vshll.u32 v18, $0x10;
	v9 =	vand.u32 $0xFFFF0000, v18;
	v20 =	vld.idx.msk [tilespmem:v5+s2+$0x0], $0xffff  }
0x83: {  	v12 =	vshrl.u32 v12, $0x10;
	v11 =	vshll.u32 v13, $0x10;
	v10 =	vand.u32 $0xFFFF0000, v13;
	v18 =	vld.idx.msk [tilespmem:v7+s2+$0x0], $0xffff  }
0x84: {  	v13 =	vld.idx.msk [tilespmem:v8+s2+$0x0], $0xffff  }
0x85: {  	[tilespmem:v4+s18+$0x0] =	vst.idx.add.f32.msk $0xffff, v15  }
0x86: {  	[tilespmem:v4+s19+$0x0] =	vst.idx.add.f32.msk $0xffff, v16;
	v4 =	vmov v19  }
0x87: {  	v15 =	vshll.u32 v14, $0x10;
	[tilespmem:v1+s18+$0x0] =	vst.idx.add.f32.msk $0xffff, v21  }
0x88: {  	v14 =	vand.u32 $0xFFFF0000, v14;
	v16 =	vshll.u32 v20, $0x10;
	v19 =	vand.u32 $0xFFFF0000, v20;
	[tilespmem:v12+s16+$0x0] =	vst.idx.add.f32.msk $0xffff, v15  }
0x89: {  	v15 =	vshll.u32 v18, $0x10;
	v18 =	vand.u32 $0xFFFF0000, v18;
	[tilespmem:v12+s17+$0x0] =	vst.idx.add.f32.msk $0xffff, v14  }
0x8a: {  	v20 =	vshll.u32 v13, $0x10;
	v14 =	vand.u32 $0xFFFF0000, v13;
	v13 =	vld.idx.msk [tilespmem:v17+s14+$0x0], $0xffff  }
.Ltmp1:
0x8b: {  	[tilespmem:v4+s16+$0x0] =	vst.idx.add.f32.msk $0xffff, v16;
	(pc) =	sbr.rel @p0 .LBB2_5-.Ltmp1, $4  }
0x8c: {  	[tilespmem:v4+s17+$0x0] =	vst.idx.add.f32.msk $0xffff, v19  }
0x8d: {  	[tilespmem:v6+s16+$0x0] =	vst.idx.add.f32.msk $0xffff, v15  }
0x8e: {  	[tilespmem:v6+s17+$0x0] =	vst.idx.add.f32.msk $0xffff, v18  }
0x8f: {  	s25 =	sadd.s32 $0x40, s25;
	[tilespmem:v3+s16+$0x0] =	vst.idx.add.f32.msk $0xffff, v20  }
0x90: {  	_ =	sdelay $0x3  }
0x91: {  	[tilespmem:v3+s17+$0x0] =	vst.idx.add.f32.msk $0xffff, v14  }
0x92: {  	v5 =	vld.idx.msk [tilespmem:v5+s14+$0x0], $0xffff  }
0x93: {  	v7 =	vld.idx.msk [tilespmem:v7+s14+$0x0], $0xffff  }
0x94: {  	[tilespmem:v1+s19+$0x0] =	vst.idx.add.f32.msk $0xffff, v9  }
0x95: {  	v62 =	vshll.u32 v13, $0x10;
	[tilespmem:v2+s18+$0x0] =	vst.idx.add.f32.msk $0xffff, v11  }
0x96: {  	[tilespmem:v12+s18+$0x0] =	vst.idx.add.f32.msk $0xffff, v62  }
0x97: {  	v8 =	vld.idx.msk [tilespmem:v8+s14+$0x0], $0xffff  }
0x98: {  	v63 =	vand.u32 $0xFFFF0000, v13;
	[tilespmem:v2+s19+$0x0] =	vst.idx.add.f32.msk $0xffff, v10  }
0x99: {  	s22 =	sadd.s32 $0x1, s22;
	[tilespmem:v12+s19+$0x0] =	vst.idx.add.f32.msk $0xffff, v63;
	v1 =	vshll.u32 v5, $0x10  }
0x9a: {  	p0 =	sne.s32 s22, $0x50;
	v2 =	vand.u32 $0xFFFF0000, v5;
	[tilespmem:v4+s18+$0x0] =	vst.idx.add.f32.msk $0xffff, v1  }
.Ltmp2:
0x9b: {  	v1 =	vshll.u32 v7, $0x10;
	[tilespmem:v4+s19+$0x0] =	vst.idx.add.f32.msk $0xffff, v2;
	(pc) =	sbr.rel @p0 .LBB2_4-.Ltmp2, $4  }
0x9c: {  	v2 =	vand.u32 $0xFFFF0000, v7;
	[tilespmem:v6+s18+$0x0] =	vst.idx.add.f32.msk $0xffff, v1  }
0x9d: {  	v1 =	vshll.u32 v8, $0x10;
	[tilespmem:v6+s19+$0x0] =	vst.idx.add.f32.msk $0xffff, v2  }
0x9e: {  	v2 =	vand.u32 $0xFFFF0000, v8;
	[tilespmem:v3+s18+$0x0] =	vst.idx.add.f32.msk $0xffff, v1  }
0x9f: {  	[tilespmem:v3+s19+$0x0] =	vst.idx.add.f32.msk $0xffff, v2  }
0xa0: {  	[hbm4b:s6+s11] =	stream.strided.scatter [tilespmem:s16], [sflag:$0x2], $0x2800, s20, s11, $0x38;
	[tilespmem:$0x11000] =	vst v63  }
0xa1: {  	_ =	swait.ge [sflag:s13], $0x2800  }
0xa2: {  	[sflag:s13] =	ssyncset.done $0x0  }
0xa3: {  	[sflag:s13] =	ssyncadd.s32 $0xFFFFD800  }
0xa4: {  	[hbm4b:s7+s11] =	stream.strided.scatter [tilespmem:s17], [sflag:$0x2], $0x2800, s20, s11, $0x38;
	[tilespmem:$0x11000] =	vst v63  }
0xa5: {  	_ =	swait.ge [sflag:s13], $0x2800  }
0xa6: {  	[sflag:s13] =	ssyncset.done $0x0  }
0xa7: {  	[sflag:s13] =	ssyncadd.s32 $0xFFFFD800  }
0xa8: {  	[hbm4b:s8+s11] =	stream.strided.scatter [tilespmem:s18], [sflag:$0x2], $0x2800, s20, s11, $0x38;
	[tilespmem:$0x11000] =	vst v63  }
0xa9: {  	s21 =	sadd.s32 $0x1, s21;
	_ =	swait.ge [sflag:s13], $0x2800  }
0xaa: {  	p0 =	sne.s32 s21, s10;
	[sflag:s13] =	ssyncset.done $0x0  }
.Ltmp3:
0xab: {  	[sflag:s13] =	ssyncadd.s32 $0xFFFFD800;
	(pc) =	sbr.rel @p0 .LBB2_1-.Ltmp3, $4  }
0xac: {  	[hbm4b:s9+s11] =	stream.strided.scatter [tilespmem:s19], [sflag:$0x2], $0x2800, s20, s11, $0x38;
	[tilespmem:$0x11000] =	vst v63  }
0xad: {  	_ =	swait.ge [sflag:s13], $0x2800  }
0xae: {  	[sflag:s13] =	ssyncset.done $0x0  }
0xaf: {  	[sflag:s13] =	ssyncadd.s32 $0xFFFFD800  }
0xb0: {  	_ =	sfence.sel $0x180000  }
0xb1: {  	[bflag:$0x0] =	sbarrier.arrive $0xFFFF  }
0xb2: {  	p0 =	sne.s32 s0, $0x0;
	_ =	strace $0x9000004A  }
0xb3: {  	s0 =	sadd.s32 @!p0 $0x100000, s1;
	[bflag:$0x2] =	sbarrier.arrive $0xFFFF  }
0xb4: {  	[sflag:s0] =	ssyncadd.tile.s32 @!p0 $0x1;
	_ =	shalt  }
.Lfunc_end2:
_tile_overlayer_lowered:
.L_overlay_start_2:
0xb5: {  	(tag) =	ssettag $0x2  }
0xb6: {  	s0 =	rddreg [dreg:$0x0];
	s2 =	stileid.u32  }
0xb7: {  	s1 =	rddreg [dreg:$0x1];
	p0 =	sne.s32 s2, $0x0  }
0xb8: {  	s3 =	rddreg [dreg:$0x2];
	[bflag:$0x3] =	sbarrier.arrive $0xFFFF;
	s2 =	simm.s32 @!p0 $0x1C02  }
0xb9: {  	[timem:s3], [sflag:s2] =	dma.local @!p0 [hbm:s0], s1  }
0xba: {  	s0 =	simm.s32 @!p0 $0x2  }
0xbb: {  	_ =	swait.ge @!p0 [sflag:s0], s1  }
0xbc: {  	s1 =	ssub.s32 @!p0 $0x0, s1;
	[sflag:s0] =	ssyncset.done @!p0 $0x0  }
0xbd: {  	[sflag:s0] =	ssyncadd.s32 @!p0 s1  }
0xbe: {  	[bflag:$0x3] =	sbarrier.arrive $0xFFFF  }
0xbf: {  	_ =	shalt  }

// kernel: kernel.14.cloned.1.call-start
scs
__scs_entry_jumppad:
0x0: {  	(pc) =	sbr.rel $0x88, $3  }
0x1: {  	(tag) =	ssettag $0x0;
	lr =	simm.s32 $0x1  }
0x2: {  	[smem:$0x3F9A] =	sst lr;
	_ =	strace $0xD0000000  }
0x3: {  	_ = 	snop  }
0x4: {  	_ = 	snop  }
0x5: {  	_ = 	snop  }
0x6: {  	_ = 	snop  }
0x7: {  	_ = 	snop  }
__scs_overlays_trampoline_lowered:
0x8: {  	[smem:$0x3FA9] =	sst s0  }
0x9: {  	[smem:$0x3FAA] =	sst s1  }
0xa: {  	[smem:$0x3FAB] =	sst s2  }
0xb: {  	[smem:$0x3FAC] =	sst s3  }
0xc: {  	[smem:$0x3FAD] =	sst s4  }
0xd: {  	[smem:$0x3FAE] =	sst s5  }
0xe: {  	[smem:$0x3FAF] =	sst s6  }
0xf: {  	[smem:$0x3FB0] =	sst s7  }
0x10: {  	[smem:$0x3FB1] =	sst s8  }
0x11: {  	[smem:$0x3FB2] =	sst s9;
	s0 =	simm.s32 @!p0 $0x0  }
0x12: {  	s1 =	sld [smem:$0x3F98];
	s0 =	simm.s32 @p0 $0x1  }
0x13: {  	[smem:$0x3FB3] =	sst s0;
	s0 =	simm.s32 @!p1 $0x0  }
0x14: {  	s2 =	sld [smem:$0x3F97];
	s0 =	simm.s32 @p1 $0x1  }
0x15: {  	[smem:$0x3FB4] =	sst s0;
	s0 =	simm.s32 @!p2 $0x0  }
0x16: {  	s3 =	sld [smem:$0x3FDB];
	s0 =	simm.s32 @p2 $0x1  }
0x17: {  	s4 =	simm.s32 $0x1BF5;
	[smem:$0x3FB6] =	sst s0  }
0x18: {  	s0 =	sld [smem:$0x3F99];
	_ =	swait.ge [sflag:s4], $0x0  }
0x19: {  	s7 =	sld [smem:$0x3F9A]  }
0x1a: {  	s8 =	sadd.s32 $0xFFFFE003, lr  }
0x1b: {  	s9 =	sadd.s32 $0xFFFFFEF7, lr;
	s5 =	simm.s32 $0xFFFFFFFF;
	p2 =	slt.u32 s8, $0xFFFFF086  }
0x1c: {  	p1 =	slt.u32 s9, $0xF7A;
	s5 =	simm.s32 @!p2 $0x0  }
0x1d: {  	s5 =	simm.s32 @p1 $0x1;
	p0 =	seq.s32 s7, s2  }
0x1e: {  	s7 =	smul.u32 @!p0 $0xF7A, s2;
	p2 =	seq.s32 @!p0 s5, $0x0  }
0x1f: {  	s9 =	smul.u32 $0xF7A, s1;
	s8 =	simm.s32 @!p0 $0x1BF5;
	p2 =	por !p2, p0  }
0x20: {  	[sflag:s8] =	ssyncset.s32 @!p0 $0xFFFFF086;
	s6 =	sadd.s32 @!p0 s3, s7;
	s7 =	simm.s32 @!p0 $0x108  }
0x21: {  	s3 =	sadd.s32 s3, s9;
	s6 =	sadd.s32 @!p0 $0x88, s6;
	s7 =	simm.s32 @p2 $0x1082  }
0x22: {  	[simem:s7], [sflag:s8] =	dma.local @!p0 [hbm:s6], $0xF7A  }
0x23: {  	s9 =	sor.u32 $0xD0000000, s2;
	s6 =	simm.s32 $0x108;
	_ =	swait.ge @!p0 [sflag:s8], $0x0  }
0x24: {  	s3 =	sadd.s32 $0x88, s3;
	s6 =	simm.s32 @!p1 $0x1082;
	[sflag:s4] =	ssyncset.s32 $0xFFFFF086  }
0x25: {  	[simem:s6], [sflag:s4] =	dma.local [hbm:s3], $0xF7A  }
0x26: {  	[smem:$0x3F9A] =	sst s1;
	(tag) =	ssettag s2;
	_ =	strace s9  }
0x27: {  	s1 =	sld [smem:$0x3FAA]  }
0x28: {  	s2 =	sld [smem:$0x3FAB]  }
0x29: {  	s4 =	sld [smem:$0x3FAD]  }
0x2a: {  	p0 =	seq.s32 s5, $0x0;
	s5 =	sld [smem:$0x3FAE]  }
0x2b: {  	s6 =	sld [smem:$0x3FAF]  }
0x2c: {  	s7 =	sld [smem:$0x3FB0]  }
0x2d: {  	s3 =	simm.s32 $0x108;
	s8 =	sld [smem:$0x3FB1]  }
0x2e: {  	s3 =	simm.s32 @!p0 $0x1082;
	s9 =	sld [smem:$0x3FB2]  }
0x2f: {  	lr =	sadd.s32 s0, s3;
	s0 =	sld [smem:$0x3FA9]  }
0x30: {  	s3 =	sld [smem:$0x3FAC]  }
0x31: {  	[smem:$0x3FB5] =	sst s10  }
0x32: {  	s10 =	sld [smem:$0x3FB3];
	_ =	sdelay $0x3  }
0x33: {  	p0 =	seq.s32 s10, $0x1;
	s10 =	sld [smem:$0x3FB5];
	_ =	sdelay $0x3  }
0x34: {  	[smem:$0x3FB5] =	sst s10  }
0x35: {  	s10 =	sld [smem:$0x3FB4];
	_ =	sdelay $0x3  }
0x36: {  	p1 =	seq.s32 s10, $0x1;
	s10 =	sld [smem:$0x3FB5];
	_ =	sdelay $0x3  }
0x37: {  	[smem:$0x3FB5] =	sst s10  }
0x38: {  	s10 =	sld [smem:$0x3FB6]  }
0x39: {  	_ = 	snop;
	(pc) =	sbr.ind lr, $3  }
0x3a: {  	_ = 	snop  }
0x3b: {  	_ = 	snop  }
0x3c: {  	p2 =	seq.s32 s10, $0x1;
	s10 =	sld [smem:$0x3FB5]  }
0x3d: {  	_ =	shalt  }
0x3e: {  	_ =	shalt  }
0x3f: {  	_ =	shalt  }
0x40: {  	_ =	shalt  }
0x41: {  	_ =	shalt  }
0x42: {  	_ =	shalt  }
0x43: {  	_ =	shalt  }
0x44: {  	_ =	shalt  }
0x45: {  	_ =	shalt  }
0x46: {  	_ =	shalt  }
0x47: {  	_ =	shalt  }
0x48: {  	_ =	shalt  }
0x49: {  	_ =	shalt  }
0x4a: {  	_ =	shalt  }
0x4b: {  	_ =	shalt  }
0x4c: {  	_ =	shalt  }
0x4d: {  	_ =	shalt  }
0x4e: {  	_ =	shalt  }
0x4f: {  	_ =	shalt  }
0x50: {  	_ =	shalt  }
0x51: {  	_ =	shalt  }
0x52: {  	_ =	shalt  }
0x53: {  	_ =	shalt  }
0x54: {  	_ =	shalt  }
0x55: {  	_ =	shalt  }
0x56: {  	_ =	shalt  }
0x57: {  	_ =	shalt  }
0x58: {  	_ =	shalt  }
0x59: {  	_ =	shalt  }
0x5a: {  	_ =	shalt  }
0x5b: {  	_ =	shalt  }
0x5c: {  	_ =	shalt  }
0x5d: {  	_ =	shalt  }
0x5e: {  	_ =	shalt  }
0x5f: {  	_ =	shalt  }
0x60: {  	_ =	shalt  }
0x61: {  	_ =	shalt  }
0x62: {  	_ =	shalt  }
0x63: {  	_ =	shalt  }
0x64: {  	_ =	shalt  }
0x65: {  	_ =	shalt  }
0x66: {  	_ =	shalt  }
0x67: {  	_ =	shalt  }
0x68: {  	_ =	shalt  }
0x69: {  	_ =	shalt  }
0x6a: {  	_ =	shalt  }
0x6b: {  	_ =	shalt  }
0x6c: {  	_ =	shalt  }
0x6d: {  	_ =	shalt  }
0x6e: {  	_ =	shalt  }
0x6f: {  	_ =	shalt  }
0x70: {  	_ =	shalt  }
0x71: {  	_ =	shalt  }
0x72: {  	_ =	shalt  }
0x73: {  	_ =	shalt  }
0x74: {  	_ =	shalt  }
0x75: {  	_ =	shalt  }
0x76: {  	_ =	shalt  }
0x77: {  	_ =	shalt  }
0x78: {  	_ =	shalt  }
0x79: {  	_ =	shalt  }
0x7a: {  	_ =	shalt  }
0x7b: {  	_ =	shalt  }
0x7c: {  	_ =	shalt  }
0x7d: {  	_ =	shalt  }
0x7e: {  	_ =	shalt  }
0x7f: {  	_ =	shalt  }
0x80: {  	_ =	shalt  }
0x81: {  	_ =	shalt  }
0x82: {  	_ =	shalt  }
0x83: {  	_ =	shalt  }
0x84: {  	_ =	shalt  }
0x85: {  	_ =	shalt  }
0x86: {  	_ =	shalt  }
0x87: {  	_ =	shalt  }
.Lfunc_end0:
.L_simem_size_0:
called_computation.2_lowered:
.L_overlay_start_0:
0x88: {  	s2 =	sld [smem:$0x3FD9]  }
0x89: {  	s3 =	sld [smem:$0x3FFE];
	_ =	sdelay $0x1  }
0x8a: {  	s1 =	srdreg.scid  }
0x8b: {  	s0 =	sand.u32 $0x1, s1  }
0x8c: {  	s16 =	sshll.u32 s0, $0xA;
	s2 =	sadd.s32 s3, s2  }
0x8d: {  	s2 =	sadd.s32 s2, s16  }
0x8e: {  	[smem:$0x3FC1] =	sst s2  }
0x8f: {  	_ = 	snop  }
0x90: {  	(tm) =	ssettm $0x1  }
0x91: {  	s17 =	sld [smem:$0x3FFB];
	_ =	sdelay $0x3  }
0x92: {  	_ =	strace s17  }
0x93: {  	s2 =	sld [smem:$0x3FFC];
	_ =	sdelay $0x3  }
0x94: {  	_ =	strace s2  }
0x95: {  	s2 =	sld [smem:$0x3FFD];
	_ =	sdelay $0x3  }
0x96: {  	_ =	strace s2  }
0x97: {  	_ =	strace $0x8FFFFFFF  }
0x98: {  	s18 =	sld [smem:$0x3FDB];
	_ =	sdelay $0x1  }
0x99: {  	s19 =	simm.s32 $_scs_section_size  }
0x9a: {  	s4 =	simm.s32 $_size__tile_overlayer_lowered;
	s5 =	simm.s32 $_tile_overlayer_lowered  }
0x9b: {  	s22 =	simm.s32 $0x1BFF;
	s21 =	sshll.u32 s5, $0x1;
	s2 =	sadd.s32 s19, s18  }
0x9c: {  	s6 =	simm.s32 $0x0;
	s20 =	sshll.u32 s4, $0x1;
	s4 =	sadd.s32 s21, s2  }
0x9d: {  	[timem:s6], [sflag:s22] =	dma.local [hbm:s4], s20  }
0x9e: {  	_ =	swait.ge [sflag:s22], s20  }
0x9f: {  	s3 =	ssub.s32 $0x0, s20;
	[sflag:s22] =	ssyncset.done $0x0  }
0xa0: {  	[sflag:s22] =	ssyncadd.s32 s3;
	_ =	sdelay $0x1  }
0xa1: {  	s23 =	simm.s32 $0x1B8B  }
0xa2: {  	_ =	swait.ge [sflag:s23], $0x1  }
0xa3: {  	[sflag:s23] =	ssyncset.done $0x0  }
0xa4: {  	s25 =	simm.s32 $0x1B8E;
	s24 =	sld [smem:$0x3FFE];
	[sflag:s23] =	ssyncadd.s32 $0xFFFFFFFF  }
0xa5: {  	s26 =	simm.s32 $execute0_lowered;
	[smem:$0x3FD2] =	sst s25  }
0xa6: {  	s4 =	sshll.u32 s26, $0x1;
	_ =	strace $0x8000004C;
	[dreg:$0x1] =	wrdreg $0xFFFFFFFF  }
0xa7: {  	s28 =	simm.s32 $_size_execute0_lowered;
	s2 =	sadd.s32 s2, s4;
	[dreg:$0x0] =	wrdreg $0x0  }
0xa8: {  	s4 =	sshll.u32 s28, $0x1;
	[dreg:$0x2] =	wrdreg s2  }
0xa9: {  	[dreg:$0x3] =	wrdreg s4  }
0xaa: {  	[dreg:$0x4] =	wrdreg $0xC0  }
0xab: {  	_ =	task [dreg:s6], $0x5FFFF  }
0xac: {  	[dreg:$0x1] =	wrdreg $0xFFFFFFFF  }
0xad: {  	[dreg:$0x0] =	wrdreg $0x60  }
0xae: {  	[dreg:$0x2] =	wrdreg s24  }
0xaf: {  	[dreg:$0x3] =	wrdreg $0x9  }
0xb0: {  	_ =	task.clear_ibuf [dreg:s6], $0x4FFFF;
	_ =	strace $0x9000004C  }
0xb1: {  	s29 =	simm.s32 $0x9;
	_ =	strace $0x8000004E  }
0xb2: {  	_ =	swait.ge [sflag:s29], $0x1  }
0xb3: {  	[sflag:s29] =	ssyncadd.s32 $0xFFFFFFFF  }
0xb4: {  	_ =	strace $0x9000004E  }
0xb5: {  	_ =	sfence  }
0xb6: {  	s30 =	sld [smem:$0x0];
	_ =	sdelay $0x2  }
0xb7: {  	s31 =	sshll.u32 s1, $0xD;
	s1 =	sshrl.u32 s1, $0x2  }
0xb8: {  	s3 =	sand.u32 $0x4000, s31;
	s1 =	sadd.s32 s1, s30  }
0xb9: {  	s0 =	sor.u32 s3, s0;
	s1 =	sshll.u32 s1, $0x11  }
0xba: {  	s0 =	sor.u32 s1, s0  }
0xbb: {  	s0 =	sadd.s32 $0x8F2B, s0  }
0xbc: {  	[sflag:s0] =	ssyncadd.remote.s32 $0x1  }
0xbd: {  	_ =	sfence.sel $0xFFFF  }
0xbe: {  	[dreg:$0x0] =	wrdreg $0xFFFFFFFF;
	(pc) =	sbr.abs _section_cstart, $3  }
0xbf: {  	[dreg:$0x1] =	wrdreg $0xFFFFFFFF  }
0xc0: {  	_ =	task.clear_ibuf [dreg:s6], $0x2FFFF;
	_ =	strace $0x9FFFFFFF  }
0xc1: {  	(tm) =	ssettm $0x7FFFFFFF  }
tec
execute0_lowered:
.L_overlay_start_1:
0x0: {  	(tag) =	ssettag $0x1  }
0x1: {  	s1 =	srdreg.scid  }
0x2: {  	s0 =	stileid.u32;
	s4 =	rddreg [dreg:$0x0]  }
0x3: {  	s2 =	simm.s32 $0x0;
	s11 =	simm.s32 $0x80;
	s12 =	simm.s32 $0x100  }
0x4: {  	s13 =	simm.s32 $0x2;
	s14 =	simm.s32 $0x2800;
	s15 =	simm.s32 $0xF000  }
0x5: {  	s16 =	simm.s32 $0x5000;
	s17 =	simm.s32 $0x7800;
	s18 =	simm.s32 $0xA000  }
0x6: {  	s19 =	simm.s32 $0xC800;
	s3 =	sand.u32 $0x1, s1;
	s31 =	sshll.u32 s0, $0x1  }
0x7: {  	s20 =	simm.s32 $0x200;
	s21 =	simm.s32 $0x0;
	s5 =	sor.u32 s3, s31  }
0x8: {  	s1 =	rddreg [dreg:$0x1];
	s7 =	ssub.s32 $0x2, s3;
	s6 =	smul.u32 $0xA00, s5  }
0x9: {  	[smem:$0x7FF] =	sst s2;
	s5 =	smul.u32 $0x1400, s5;
	s8 =	sshrl.u32 s7, $0x1  }
0xa: {  	_ =	strace $0x8000004D;
	s3 =	sadd.s32 $0x1A00, s4;
	s10 =	ssub.s32 s7, s8  }
0xb: {  	s6 =	sadd.s32 s6, s4;
	s9 =	sadd.s32 s5, s4;
	s10 =	smax.u32 s10, $0x1  }
0xc: {  	s4 =	sadd.s32 $0xBA00, s6;
	s5 =	sadd.s32 $0xBA10, s6;
	s6 =	sadd.s32 $0x1FA00, s9  }
0xd: {  	v0 =	vimm.f32 $0.0e+00;
	s7 =	sadd.s32 $0x1FA10, s9;
	s8 =	sadd.s32 $0x1FA20, s9;
	s9 =	sadd.s32 $0x1FA30, s9  }
.LBB2_1:
0xe: {  	[tilespmem:s2], [sflag:$0x2] =	stream.strided.gather [hbm4b:s4+s11], $0x2800, s12, s11, $0x38;
	[tilespmem:$0x11000] =	vst v63  }
0xf: {  	_ =	swait.ge [sflag:s13], $0x2800  }
0x10: {  	[sflag:s13] =	ssyncset.done $0x0  }
0x11: {  	[sflag:s13] =	ssyncadd.s32 $0xFFFFD800  }
0x12: {  	[tilespmem:s14], [sflag:$0x2] =	stream.strided.gather [hbm4b:s5+s11], $0x2800, s12, s11, $0x38;
	[tilespmem:$0x11000] =	vst v63  }
0x13: {  	_ =	swait.ge [sflag:s13], $0x2800  }
0x14: {  	[sflag:s13] =	ssyncset.done $0x0  }
0x15: {  	s25 =	simm.s32 $0x5020;
	[sflag:s13] =	ssyncadd.s32 $0xFFFFD800  }
0x16: {  	[tilespmem:s25+$0xFFFFFFF0] =	vst v0  }
0x17: {  	[tilespmem:s25+$0x0] =	vst v0  }
0x18: {  	[tilespmem:s25+$0x10] =	vst v0  }
0x19: {  	s22 =	simm.s32 $0x7820;
	[tilespmem:s25+$0xFFFFFFE0] =	vst v0  }
0x1a: {  	[tilespmem:s22+$0xFFFFFFF0] =	vst v0  }
0x1b: {  	[tilespmem:s22+$0x0] =	vst v0  }
0x1c: {  	[tilespmem:s22+$0x10] =	vst v0  }
0x1d: {  	s23 =	simm.s32 $0xA020;
	[tilespmem:s22+$0xFFFFFFE0] =	vst v0  }
0x1e: {  	[tilespmem:s23+$0xFFFFFFF0] =	vst v0  }
0x1f: {  	[tilespmem:s23+$0x0] =	vst v0  }
0x20: {  	[tilespmem:s23+$0x10] =	vst v0  }
0x21: {  	s24 =	simm.s32 $0xC820;
	[tilespmem:s23+$0xFFFFFFE0] =	vst v0  }
0x22: {  	[tilespmem:s24+$0xFFFFFFF0] =	vst v0  }
0x23: {  	[tilespmem:s24+$0x0] =	vst v0  }
0x24: {  	[tilespmem:s24+$0x10] =	vst v0  }
0x25: {  	s26 =	simm.s32 $0x5060;
	s25 =	simm.s32 $0x0;
	[tilespmem:s24+$0xFFFFFFE0] =	vst v0  }
.LBB2_2:
0x26: {  	[tilespmem:s26+$0xFFFFFFF0] =	vst v0;
	s22 =	sadd.s32 $0x40, s22  }
0x27: {  	s23 =	sadd.s32 $0x40, s23;
	[tilespmem:s22+$0xFFFFFFF0] =	vst v0  }
0x28: {  	s24 =	sadd.s32 $0x40, s24;
	[tilespmem:s23+$0xFFFFFFF0] =	vst v0  }
0x29: {  	[tilespmem:s24+$0xFFFFFFF0] =	vst v0  }
0x2a: {  	[tilespmem:s26+$0x0] =	vst v0  }
0x2b: {  	[tilespmem:s22+$0x0] =	vst v0  }
0x2c: {  	[tilespmem:s23+$0x0] =	vst v0  }
0x2d: {  	[tilespmem:s24+$0x0] =	vst v0  }
0x2e: {  	[tilespmem:s26+$0x10] =	vst v0  }
0x2f: {  	s25 =	sadd.s32 $0x4, s25;
	[tilespmem:s22+$0x10] =	vst v0  }
0x30: {  	p0 =	slt.u32 s25, $0x27C;
	[tilespmem:s23+$0x10] =	vst v0  }
.Ltmp0:
0x31: {  	[tilespmem:s24+$0x10] =	vst v0;
	(pc) =	sbr.rel @p0 .LBB2_2-.Ltmp0, $4  }
0x32: {  	[tilespmem:s26+$0xFFFFFFE0] =	vst v0  }
0x33: {  	[tilespmem:s22+$0xFFFFFFE0] =	vst v0  }
0x34: {  	[tilespmem:s23+$0xFFFFFFE0] =	vst v0  }
0x35: {  	s26 =	sadd.s32 $0x40, s26;
	[tilespmem:s24+$0xFFFFFFE0] =	vst v0  }
0x36: {  	s22 =	simm.s32 $0x0  }
0x37: {  	[tilespmem:s15], [sflag:$0x2] =	stream.linear.gather [hbm4b:s3+s22], $0x1000, $0x38;
	[tilespmem:$0x11000] =	vst v63  }
0x38: {  	_ =	swait.ge [sflag:s13], $0x1000  }
0x39: {  	[sflag:s13] =	ssyncset.done $0x0  }
0x3a: {  	[sflag:s13] =	ssyncadd.s32 $0xFFFFF000  }
.LBB2_4:
0x3b: {  	p0 =	seq.s32 s22, $0x0  }
0x3c: {  	s23 =	simm.s32 @!p0 $0x1  }
0x3d: {  	p1 =	seq.s32 @!p0 s22, $0x4F;
	_ =	swait.ge @!p0 [sflag:s23], $0x1000  }
0x3e: {  	p1 =	por p0, !p1;
	[sflag:s23] =	ssyncset.done @!p0 $0x0  }
0x3f: {  	[sflag:s23] =	ssyncadd.s32 @!p0 $0xFFFFF000;
	s23 =	sadd.s32 @p1 $0x1, s22  }
0x40: {  	s24 =	sshll.u32 @p1 s23, $0xC  }
0x41: {  	s23 =	sshll.u32 @p1 s23, $0x9;
	s24 =	sand.u32 @p1 $0x1000, s24  }
0x42: {  	s28 =	sshll.u32 s22, $0xC;
	s23 =	sadd.s32 @p1 s3, s23;
	s24 =	sadd.s32 @p1 $0xF000, s24  }
0x43: {  	[tilespmem:s24], [sflag:$0x1] =	stream.linear.gather @p1 [hbm4b:s23+s2], $0x1000, $0x38;
	[tilespmem:$0x11000] =	vst v63  }
0x44: {  	s29 =	simm.s32 $0x0;
	s23 =	sand.u32 $0x1000, s28  }
0x45: {  	s25 =	sand.u32 $0xF80, s29;
	s23 =	sadd.s32 $0xF000, s23  }
0x46: {  	s24 =	sand.u32 $0x40, s29;
	s25 =	sadd.s32 s25, s23  }
0x47: {  	s24 =	sadd.s32 s24, s25  }
0x48: {  	v1 =	vld [tilespmem:s24+$0x30];
	_ =	sdelay $0x2  }
0x49: {  	v2 =	vld [tilespmem:s24+$0x0]  }
0x4a: {  	v3 =	vld [tilespmem:s24+$0x10]  }
0x4b: {  	v4 =	vld [tilespmem:s24+$0x20];
	v5 =	vand.u32 $0xFFFF, v1;
	_ =	sdelay $0x2  }
0x4c: {  	s30 =	simm.s32 $0x40;
	v6 =	vand.u32 $0xFFFF, v2  }
0x4d: {  	s31 =	sand.u32 $0xF80, s30;
	v8 =	vand.u32 $0xFFFF, v3  }
0x4e: {  	s25 =	sadd.s32 s31, s23;
	s24 =	sand.u32 $0x40, s30;
	v9 =	vand.u32 $0xFFFF, v4;
	v7 =	vld.idx.msk [tilespmem:v5+s2+$0x0], $0xffff  }
0x4f: {  	s24 =	sadd.s32 s24, s25;
	v10 =	vshrl.u32 v1, $0x10  }
0x50: {  	v15 =	vld [tilespmem:s24+$0x10]  }
0x51: {  	v11 =	vld.idx.msk [tilespmem:v6+s2+$0x0], $0xffff  }
0x52: {  	v13 =	vshrl.u32 v2, $0x10;
	v12 =	vld.idx.msk [tilespmem:v8+s2+$0x0], $0xffff  }
0x53: {  	v14 =	vld.idx.msk [tilespmem:v9+s2+$0x0], $0xffff;
	v2 =	vshll.u32 v7, $0x10  }
0x54: {  	v1 =	vshrl.u32 v3, $0x10;
	v3 =	vand.u32 $0xFFFF0000, v7;
	[tilespmem:v10+s16+$0x0] =	vst.idx.add.f32.msk $0xffff, v2  }
0x55: {  	[tilespmem:v10+s17+$0x0] =	vst.idx.add.f32.msk $0xffff, v3  }
0x56: {  	v2 =	vshrl.u32 v4, $0x10;
	v3 =	vshll.u32 v11, $0x10;
	v4 =	vld.idx.msk [tilespmem:v5+s14+$0x0], $0xffff  }
0x57: {  	[tilespmem:v13+s16+$0x0] =	vst.idx.add.f32.msk $0xffff, v3  }
0x58: {  	v5 =	vand.u32 $0xFFFF0000, v11;
	v11 =	vld [tilespmem:s24+$0x0]  }
0x59: {  	v3 =	vshll.u32 v12, $0x10;
	[tilespmem:v13+s17+$0x0] =	vst.idx.add.f32.msk $0xffff, v5  }
0x5a: {  	[tilespmem:v1+s16+$0x0] =	vst.idx.add.f32.msk $0xffff, v3;
	v3 =	vshll.u32 v14, $0x10  }
0x5b: {  	[tilespmem:v2+s16+$0x0] =	vst.idx.add.f32.msk $0xffff, v3  }
0x5c: {  	v5 =	vand.u32 $0xFFFF0000, v12;
	v3 =	vld [tilespmem:s24+$0x30]  }
0x5d: {  	[tilespmem:v1+s17+$0x0] =	vst.idx.add.f32.msk $0xffff, v5  }
0x5e: {  	v5 =	vand.u32 $0xFFFF0000, v14;
	v14 =	vld [tilespmem:s24+$0x20]  }
0x5f: {  	v7 =	vand.u32 $0xFFFF, v15;
	[tilespmem:v2+s17+$0x0] =	vst.idx.add.f32.msk $0xffff, v5;
	v5 =	vshll.u32 v4, $0x10  }
0x60: {  	v4 =	vand.u32 $0xFFFF0000, v4;
	[tilespmem:v10+s18+$0x0] =	vst.idx.add.f32.msk $0xffff, v5  }
0x61: {  	[tilespmem:v10+s19+$0x0] =	vst.idx.add.f32.msk $0xffff, v4;
	v16 =	vand.u32 $0xFFFF, v3  }
0x62: {  	v5 =	vand.u32 $0xFFFF, v11;
	v4 =	vld.idx.msk [tilespmem:v6+s14+$0x0], $0xffff  }
0x63: {  	v10 =	vld.idx.msk [tilespmem:v8+s14+$0x0], $0xffff;
	v8 =	vand.u32 $0xFFFF, v14  }
0x64: {  	v19 =	vld.idx.msk [tilespmem:v7+s2+$0x0], $0xffff  }
0x65: {  	v17 =	vld.idx.msk [tilespmem:v9+s14+$0x0], $0xffff  }
0x66: {  	v9 =	vld.idx.msk [tilespmem:v16+s2+$0x0], $0xffff  }
0x67: {  	v12 =	vshrl.u32 v3, $0x10;
	v18 =	vld.idx.msk [tilespmem:v5+s2+$0x0], $0xffff  }
0x68: {  	v3 =	vshll.u32 v4, $0x10;
	v20 =	vld.idx.msk [tilespmem:v8+s2+$0x0], $0xffff;
	v6 =	vand.u32 $0xFFFF0000, v4;
	v4 =	vshrl.u32 v11, $0x10  }
0x69: {  	[tilespmem:v13+s18+$0x0] =	vst.idx.add.f32.msk $0xffff, v3  }
0x6a: {  	v3 =	vshll.u32 v10, $0x10;
	[tilespmem:v13+s19+$0x0] =	vst.idx.add.f32.msk $0xffff, v6  }
0x6b: {  	[tilespmem:v1+s18+$0x0] =	vst.idx.add.f32.msk $0xffff, v3;
	v11 =	vshll.u32 v9, $0x10  }
0x6c: {  	v6 =	vshrl.u32 v15, $0x10;
	v3 =	vand.u32 $0xFFFF0000, v9;
	v9 =	vshll.u32 v18, $0x10;
	[tilespmem:v12+s16+$0x0] =	vst.idx.add.f32.msk $0xffff, v11  }
0x6d: {  	[tilespmem:v4+s16+$0x0] =	vst.idx.add.f32.msk $0xffff, v9  }
0x6e: {  	[tilespmem:v12+s17+$0x0] =	vst.idx.add.f32.msk $0xffff, v3;
	v3 =	vshrl.u32 v14, $0x10  }
0x6f: {  	v11 =	vand.u32 $0xFFFF0000, v18;
	v13 =	vld.idx.msk [tilespmem:v16+s14+$0x0], $0xffff  }
0x70: {  	v9 =	vshll.u32 v19, $0x10;
	[tilespmem:v4+s17+$0x0] =	vst.idx.add.f32.msk $0xffff, v11  }
0x71: {  	v11 =	vand.u32 $0xFFFF0000, v19;
	[tilespmem:v6+s16+$0x0] =	vst.idx.add.f32.msk $0xffff, v9  }
0x72: {  	v15 =	vshll.u32 v20, $0x10;
	v9 =	vand.u32 $0xFFFF0000, v10;
	[tilespmem:v6+s17+$0x0] =	vst.idx.add.f32.msk $0xffff, v11  }
0x73: {  	s25 =	simm.s32 $0x80;
	s24 =	simm.s32 $0x4;
	v10 =	vand.u32 $0xFFFF0000, v17;
	v14 =	vand.u32 $0xFFFF0000, v20;
	v11 =	vshll.u32 v17, $0x10;
	[tilespmem:v3+s16+$0x0] =	vst.idx.add.f32.msk $0xffff, v15  }
.LBB2_5:
0x74: {  	s26 =	sand.u32 $0xF80, s25;
	[tilespmem:v3+s17+$0x0] =	vst.idx.add.f32.msk $0xffff, v14;
	v14 =	vshll.u32 v13, $0x10  }
0x75: {  	s28 =	sand.u32 $0x40, s25;
	v13 =	vand.u32 $0xFFFF0000, v13;
	s26 =	sadd.s32 s26, s23;
	[tilespmem:v12+s18+$0x0] =	vst.idx.add.f32.msk $0xffff, v14  }
0x76: {  	s24 =	sadd.s32 $0x4, s24;
	s26 =	sadd.s32 s28, s26;
	[tilespmem:v12+s19+$0x0] =	vst.idx.add.f32.msk $0xffff, v13  }
0x77: {  	p0 =	slt.u32 s24, $0xFC;
	v12 =	vld [tilespmem:s26+$0x30]  }
0x78: {  	v13 =	vld [tilespmem:s26+$0x0]  }
0x79: {  	v14 =	vld [tilespmem:s26+$0x10]  }
0x7a: {  	v15 =	vld [tilespmem:s26+$0x20]  }
0x7b: {  	v16 =	vld.idx.msk [tilespmem:v5+s14+$0x0], $0xffff  }
0x7c: {  	v17 =	vand.u32 $0xFFFF, v12;
	v18 =	vld.idx.msk [tilespmem:v7+s14+$0x0], $0xffff  }
0x7d: {  	v19 =	vshrl.u32 v13, $0x10;
	v5 =	vand.u32 $0xFFFF, v13;
	v13 =	vld.idx.msk [tilespmem:v8+s14+$0x0], $0xffff  }
0x7e: {  	v7 =	vand.u32 $0xFFFF, v14;
	[tilespmem:v1+s19+$0x0] =	vst.idx.add.f32.msk $0xffff, v9;
	v1 =	vmov v6;
	v6 =	vshrl.u32 v14, $0x10  }
0x7f: {  	v9 =	vshrl.u32 v15, $0x10;
	v8 =	vand.u32 $0xFFFF, v15;
	[tilespmem:v2+s18+$0x0] =	vst.idx.add.f32.msk $0xffff, v11  }
0x80: {  	[tilespmem:v2+s19+$0x0] =	vst.idx.add.f32.msk $0xffff, v10;
	v2 =	vmov v3;
	v3 =	vmov v9  }
0x81: {  	v15 =	vshll.u32 v16, $0x10;
	v16 =	vand.u32 $0xFFFF0000, v16;
	v14 =	vld.idx.msk [tilespmem:v17+s2+$0x0], $0xffff  }
0x82: {  	v21 =	vshll.u32 v18, $0x10;
	v9 =	vand.u32 $0xFFFF0000, v18;
	v20 =	vld.idx.msk [tilespmem:v5+s2+$0x0], $0xffff  }
0x83: {  	v12 =	vshrl.u32 v12, $0x10;
	v11 =	vshll.u32 v13, $0x10;
	v10 =	vand.u32 $0xFFFF0000, v13;
	v18 =	vld.idx.msk [tilespmem:v7+s2+$0x0], $0xffff  }
0x84: {  	v13 =	vld.idx.msk [tilespmem:v8+s2+$0x0], $0xffff  }
0x85: {  	[tilespmem:v4+s18+$0x0] =	vst.idx.add.f32.msk $0xffff, v15  }
0x86: {  	[tilespmem:v4+s19+$0x0] =	vst.idx.add.f32.msk $0xffff, v16;
	v4 =	vmov v19  }
0x87: {  	v15 =	vshll.u32 v14, $0x10;
	[tilespmem:v1+s18+$0x0] =	vst.idx.add.f32.msk $0xffff, v21  }
0x88: {  	v14 =	vand.u32 $0xFFFF0000, v14;
	v16 =	vshll.u32 v20, $0x10;
	v19 =	vand.u32 $0xFFFF0000, v20;
	[tilespmem:v12+s16+$0x0] =	vst.idx.add.f32.msk $0xffff, v15  }
0x89: {  	v15 =	vshll.u32 v18, $0x10;
	v18 =	vand.u32 $0xFFFF0000, v18;
	[tilespmem:v12+s17+$0x0] =	vst.idx.add.f32.msk $0xffff, v14  }
0x8a: {  	v20 =	vshll.u32 v13, $0x10;
	v14 =	vand.u32 $0xFFFF0000, v13;
	v13 =	vld.idx.msk [tilespmem:v17+s14+$0x0], $0xffff  }
.Ltmp1:
0x8b: {  	[tilespmem:v4+s16+$0x0] =	vst.idx.add.f32.msk $0xffff, v16;
	(pc) =	sbr.rel @p0 .LBB2_5-.Ltmp1, $4  }
0x8c: {  	[tilespmem:v4+s17+$0x0] =	vst.idx.add.f32.msk $0xffff, v19  }
0x8d: {  	[tilespmem:v6+s16+$0x0] =	vst.idx.add.f32.msk $0xffff, v15  }
0x8e: {  	[tilespmem:v6+s17+$0x0] =	vst.idx.add.f32.msk $0xffff, v18  }
0x8f: {  	s25 =	sadd.s32 $0x40, s25;
	[tilespmem:v3+s16+$0x0] =	vst.idx.add.f32.msk $0xffff, v20  }
0x90: {  	_ =	sdelay $0x3  }
0x91: {  	[tilespmem:v3+s17+$0x0] =	vst.idx.add.f32.msk $0xffff, v14  }
0x92: {  	v5 =	vld.idx.msk [tilespmem:v5+s14+$0x0], $0xffff  }
0x93: {  	v7 =	vld.idx.msk [tilespmem:v7+s14+$0x0], $0xffff  }
0x94: {  	[tilespmem:v1+s19+$0x0] =	vst.idx.add.f32.msk $0xffff, v9  }
0x95: {  	v62 =	vshll.u32 v13, $0x10;
	[tilespmem:v2+s18+$0x0] =	vst.idx.add.f32.msk $0xffff, v11  }
0x96: {  	[tilespmem:v12+s18+$0x0] =	vst.idx.add.f32.msk $0xffff, v62  }
0x97: {  	v8 =	vld.idx.msk [tilespmem:v8+s14+$0x0], $0xffff  }
0x98: {  	v63 =	vand.u32 $0xFFFF0000, v13;
	[tilespmem:v2+s19+$0x0] =	vst.idx.add.f32.msk $0xffff, v10  }
0x99: {  	s22 =	sadd.s32 $0x1, s22;
	[tilespmem:v12+s19+$0x0] =	vst.idx.add.f32.msk $0xffff, v63;
	v1 =	vshll.u32 v5, $0x10  }
0x9a: {  	p0 =	sne.s32 s22, $0x50;
	v2 =	vand.u32 $0xFFFF0000, v5;
	[tilespmem:v4+s18+$0x0] =	vst.idx.add.f32.msk $0xffff, v1  }
.Ltmp2:
0x9b: {  	v1 =	vshll.u32 v7, $0x10;
	[tilespmem:v4+s19+$0x0] =	vst.idx.add.f32.msk $0xffff, v2;
	(pc) =	sbr.rel @p0 .LBB2_4-.Ltmp2, $4  }
0x9c: {  	v2 =	vand.u32 $0xFFFF0000, v7;
	[tilespmem:v6+s18+$0x0] =	vst.idx.add.f32.msk $0xffff, v1  }
0x9d: {  	v1 =	vshll.u32 v8, $0x10;
	[tilespmem:v6+s19+$0x0] =	vst.idx.add.f32.msk $0xffff, v2  }
0x9e: {  	v2 =	vand.u32 $0xFFFF0000, v8;
	[tilespmem:v3+s18+$0x0] =	vst.idx.add.f32.msk $0xffff, v1  }
0x9f: {  	[tilespmem:v3+s19+$0x0] =	vst.idx.add.f32.msk $0xffff, v2  }
0xa0: {  	[hbm4b:s6+s11] =	stream.strided.scatter [tilespmem:s16], [sflag:$0x2], $0x2800, s20, s11, $0x38;
	[tilespmem:$0x11000] =	vst v63  }
0xa1: {  	_ =	swait.ge [sflag:s13], $0x2800  }
0xa2: {  	[sflag:s13] =	ssyncset.done $0x0  }
0xa3: {  	[sflag:s13] =	ssyncadd.s32 $0xFFFFD800  }
0xa4: {  	[hbm4b:s7+s11] =	stream.strided.scatter [tilespmem:s17], [sflag:$0x2], $0x2800, s20, s11, $0x38;
	[tilespmem:$0x11000] =	vst v63  }
0xa5: {  	_ =	swait.ge [sflag:s13], $0x2800  }
0xa6: {  	[sflag:s13] =	ssyncset.done $0x0  }
0xa7: {  	[sflag:s13] =	ssyncadd.s32 $0xFFFFD800  }
0xa8: {  	[hbm4b:s8+s11] =	stream.strided.scatter [tilespmem:s18], [sflag:$0x2], $0x2800, s20, s11, $0x38;
	[tilespmem:$0x11000] =	vst v63  }
0xa9: {  	s21 =	sadd.s32 $0x1, s21;
	_ =	swait.ge [sflag:s13], $0x2800  }
0xaa: {  	p0 =	sne.s32 s21, s10;
	[sflag:s13] =	ssyncset.done $0x0  }
.Ltmp3:
0xab: {  	[sflag:s13] =	ssyncadd.s32 $0xFFFFD800;
	(pc) =	sbr.rel @p0 .LBB2_1-.Ltmp3, $4  }
0xac: {  	[hbm4b:s9+s11] =	stream.strided.scatter [tilespmem:s19], [sflag:$0x2], $0x2800, s20, s11, $0x38;
	[tilespmem:$0x11000] =	vst v63  }
0xad: {  	_ =	swait.ge [sflag:s13], $0x2800  }
0xae: {  	[sflag:s13] =	ssyncset.done $0x0  }
0xaf: {  	[sflag:s13] =	ssyncadd.s32 $0xFFFFD800  }
0xb0: {  	_ =	sfence.sel $0x180000  }
0xb1: {  	[bflag:$0x0] =	sbarrier.arrive $0xFFFF  }
0xb2: {  	p0 =	sne.s32 s0, $0x0;
	_ =	strace $0x9000004D  }
0xb3: {  	s0 =	sadd.s32 @!p0 $0x100000, s1;
	[bflag:$0x2] =	sbarrier.arrive $0xFFFF  }
0xb4: {  	[sflag:s0] =	ssyncadd.tile.s32 @!p0 $0x1;
	_ =	shalt  }
.Lfunc_end2:
_tile_overlayer_lowered:
.L_overlay_start_2:
0xb5: {  	(tag) =	ssettag $0x2  }
0xb6: {  	s0 =	rddreg [dreg:$0x0];
	s2 =	stileid.u32  }
0xb7: {  	s1 =	rddreg [dreg:$0x1];
	p0 =	sne.s32 s2, $0x0  }
0xb8: {  	s3 =	rddreg [dreg:$0x2];
	[bflag:$0x3] =	sbarrier.arrive $0xFFFF;
	s2 =	simm.s32 @!p0 $0x1C02  }
0xb9: {  	[timem:s3], [sflag:s2] =	dma.local @!p0 [hbm:s0], s1  }
0xba: {  	s0 =	simm.s32 @!p0 $0x2  }
0xbb: {  	_ =	swait.ge @!p0 [sflag:s0], s1  }
0xbc: {  	s1 =	ssub.s32 @!p0 $0x0, s1;
	[sflag:s0] =	ssyncset.done @!p0 $0x0  }
0xbd: {  	[sflag:s0] =	ssyncadd.s32 @!p0 s1  }
0xbe: {  	[bflag:$0x3] =	sbarrier.arrive $0xFFFF  }
0xbf: {  	_ =	shalt  }

// kernel: kernel.8.cloned.1.call-start
scs
__scs_entry_jumppad:
0x0: {  	(pc) =	sbr.rel $0x88, $3  }
0x1: {  	(tag) =	ssettag $0x0;
	lr =	simm.s32 $0x1  }
0x2: {  	[smem:$0x3F9A] =	sst lr;
	_ =	strace $0xD0000000  }
0x3: {  	_ = 	snop  }
0x4: {  	_ = 	snop  }
0x5: {  	_ = 	snop  }
0x6: {  	_ = 	snop  }
0x7: {  	_ = 	snop  }
__scs_overlays_trampoline_lowered:
0x8: {  	[smem:$0x3FA9] =	sst s0  }
0x9: {  	[smem:$0x3FAA] =	sst s1  }
0xa: {  	[smem:$0x3FAB] =	sst s2  }
0xb: {  	[smem:$0x3FAC] =	sst s3  }
0xc: {  	[smem:$0x3FAD] =	sst s4  }
0xd: {  	[smem:$0x3FAE] =	sst s5  }
0xe: {  	[smem:$0x3FAF] =	sst s6  }
0xf: {  	[smem:$0x3FB0] =	sst s7  }
0x10: {  	[smem:$0x3FB1] =	sst s8  }
0x11: {  	[smem:$0x3FB2] =	sst s9;
	s0 =	simm.s32 @!p0 $0x0  }
0x12: {  	s1 =	sld [smem:$0x3F98];
	s0 =	simm.s32 @p0 $0x1  }
0x13: {  	[smem:$0x3FB3] =	sst s0;
	s0 =	simm.s32 @!p1 $0x0  }
0x14: {  	s2 =	sld [smem:$0x3F97];
	s0 =	simm.s32 @p1 $0x1  }
0x15: {  	[smem:$0x3FB4] =	sst s0;
	s0 =	simm.s32 @!p2 $0x0  }
0x16: {  	s3 =	sld [smem:$0x3FDB];
	s0 =	simm.s32 @p2 $0x1  }
0x17: {  	s4 =	simm.s32 $0x1BF5;
	[smem:$0x3FB6] =	sst s0  }
0x18: {  	s0 =	sld [smem:$0x3F99];
	_ =	swait.ge [sflag:s4], $0x0  }
0x19: {  	s7 =	sld [smem:$0x3F9A]  }
0x1a: {  	s8 =	sadd.s32 $0xFFFFE003, lr  }
0x1b: {  	s9 =	sadd.s32 $0xFFFFFEF7, lr;
	s5 =	simm.s32 $0xFFFFFFFF;
	p2 =	slt.u32 s8, $0xFFFFF086  }
0x1c: {  	p1 =	slt.u32 s9, $0xF7A;
	s5 =	simm.s32 @!p2 $0x0  }
0x1d: {  	s5 =	simm.s32 @p1 $0x1;
	p0 =	seq.s32 s7, s2  }
0x1e: {  	s7 =	smul.u32 @!p0 $0xF7A, s2;
	p2 =	seq.s32 @!p0 s5, $0x0  }
0x1f: {  	s9 =	smul.u32 $0xF7A, s1;
	s8 =	simm.s32 @!p0 $0x1BF5;
	p2 =	por !p2, p0  }
0x20: {  	[sflag:s8] =	ssyncset.s32 @!p0 $0xFFFFF086;
	s6 =	sadd.s32 @!p0 s3, s7;
	s7 =	simm.s32 @!p0 $0x108  }
0x21: {  	s3 =	sadd.s32 s3, s9;
	s6 =	sadd.s32 @!p0 $0x88, s6;
	s7 =	simm.s32 @p2 $0x1082  }
0x22: {  	[simem:s7], [sflag:s8] =	dma.local @!p0 [hbm:s6], $0xF7A  }
0x23: {  	s9 =	sor.u32 $0xD0000000, s2;
	s6 =	simm.s32 $0x108;
	_ =	swait.ge @!p0 [sflag:s8], $0x0  }
0x24: {  	s3 =	sadd.s32 $0x88, s3;
	s6 =	simm.s32 @!p1 $0x1082;
	[sflag:s4] =	ssyncset.s32 $0xFFFFF086  }
0x25: {  	[simem:s6], [sflag:s4] =	dma.local [hbm:s3], $0xF7A  }
0x26: {  	[smem:$0x3F9A] =	sst s1;
	(tag) =	ssettag s2;
	_ =	strace s9  }
0x27: {  	s1 =	sld [smem:$0x3FAA]  }
0x28: {  	s2 =	sld [smem:$0x3FAB]  }
0x29: {  	s4 =	sld [smem:$0x3FAD]  }
0x2a: {  	p0 =	seq.s32 s5, $0x0;
	s5 =	sld [smem:$0x3FAE]  }
0x2b: {  	s6 =	sld [smem:$0x3FAF]  }
0x2c: {  	s7 =	sld [smem:$0x3FB0]  }
0x2d: {  	s3 =	simm.s32 $0x108;
	s8 =	sld [smem:$0x3FB1]  }
0x2e: {  	s3 =	simm.s32 @!p0 $0x1082;
	s9 =	sld [smem:$0x3FB2]  }
0x2f: {  	lr =	sadd.s32 s0, s3;
	s0 =	sld [smem:$0x3FA9]  }
0x30: {  	s3 =	sld [smem:$0x3FAC]  }
0x31: {  	[smem:$0x3FB5] =	sst s10  }
0x32: {  	s10 =	sld [smem:$0x3FB3];
	_ =	sdelay $0x3  }
0x33: {  	p0 =	seq.s32 s10, $0x1;
	s10 =	sld [smem:$0x3FB5];
	_ =	sdelay $0x3  }
0x34: {  	[smem:$0x3FB5] =	sst s10  }
0x35: {  	s10 =	sld [smem:$0x3FB4];
	_ =	sdelay $0x3  }
0x36: {  	p1 =	seq.s32 s10, $0x1;
	s10 =	sld [smem:$0x3FB5];
	_ =	sdelay $0x3  }
0x37: {  	[smem:$0x3FB5] =	sst s10  }
0x38: {  	s10 =	sld [smem:$0x3FB6]  }
0x39: {  	_ = 	snop;
	(pc) =	sbr.ind lr, $3  }
0x3a: {  	_ = 	snop  }
0x3b: {  	_ = 	snop  }
0x3c: {  	p2 =	seq.s32 s10, $0x1;
	s10 =	sld [smem:$0x3FB5]  }
0x3d: {  	_ =	shalt  }
0x3e: {  	_ =	shalt  }
0x3f: {  	_ =	shalt  }
0x40: {  	_ =	shalt  }
0x41: {  	_ =	shalt  }
0x42: {  	_ =	shalt  }
0x43: {  	_ =	shalt  }
0x44: {  	_ =	shalt  }
0x45: {  	_ =	shalt  }
0x46: {  	_ =	shalt  }
0x47: {  	_ =	shalt  }
0x48: {  	_ =	shalt  }
0x49: {  	_ =	shalt  }
0x4a: {  	_ =	shalt  }
0x4b: {  	_ =	shalt  }
0x4c: {  	_ =	shalt  }
0x4d: {  	_ =	shalt  }
0x4e: {  	_ =	shalt  }
0x4f: {  	_ =	shalt  }
0x50: {  	_ =	shalt  }
0x51: {  	_ =	shalt  }
0x52: {  	_ =	shalt  }
0x53: {  	_ =	shalt  }
0x54: {  	_ =	shalt  }
0x55: {  	_ =	shalt  }
0x56: {  	_ =	shalt  }
0x57: {  	_ =	shalt  }
0x58: {  	_ =	shalt  }
0x59: {  	_ =	shalt  }
0x5a: {  	_ =	shalt  }
0x5b: {  	_ =	shalt  }
0x5c: {  	_ =	shalt  }
0x5d: {  	_ =	shalt  }
0x5e: {  	_ =	shalt  }
0x5f: {  	_ =	shalt  }
0x60: {  	_ =	shalt  }
0x61: {  	_ =	shalt  }
0x62: {  	_ =	shalt  }
0x63: {  	_ =	shalt  }
0x64: {  	_ =	shalt  }
0x65: {  	_ =	shalt  }
0x66: {  	_ =	shalt  }
0x67: {  	_ =	shalt  }
0x68: {  	_ =	shalt  }
0x69: {  	_ =	shalt  }
0x6a: {  	_ =	shalt  }
0x6b: {  	_ =	shalt  }
0x6c: {  	_ =	shalt  }
0x6d: {  	_ =	shalt  }
0x6e: {  	_ =	shalt  }
0x6f: {  	_ =	shalt  }
0x70: {  	_ =	shalt  }
0x71: {  	_ =	shalt  }
0x72: {  	_ =	shalt  }
0x73: {  	_ =	shalt  }
0x74: {  	_ =	shalt  }
0x75: {  	_ =	shalt  }
0x76: {  	_ =	shalt  }
0x77: {  	_ =	shalt  }
0x78: {  	_ =	shalt  }
0x79: {  	_ =	shalt  }
0x7a: {  	_ =	shalt  }
0x7b: {  	_ =	shalt  }
0x7c: {  	_ =	shalt  }
0x7d: {  	_ =	shalt  }
0x7e: {  	_ =	shalt  }
0x7f: {  	_ =	shalt  }
0x80: {  	_ =	shalt  }
0x81: {  	_ =	shalt  }
0x82: {  	_ =	shalt  }
0x83: {  	_ =	shalt  }
0x84: {  	_ =	shalt  }
0x85: {  	_ =	shalt  }
0x86: {  	_ =	shalt  }
0x87: {  	_ =	shalt  }
.Lfunc_end0:
.L_simem_size_0:
called_computation_lowered:
.L_overlay_start_0:
0x88: {  	s2 =	sld [smem:$0x3FD9]  }
0x89: {  	s3 =	sld [smem:$0x3FFE];
	_ =	sdelay $0x1  }
0x8a: {  	s1 =	srdreg.scid  }
0x8b: {  	s0 =	sand.u32 $0x1, s1  }
0x8c: {  	s16 =	sshll.u32 s0, $0xA;
	s2 =	sadd.s32 s3, s2  }
0x8d: {  	s2 =	sadd.s32 s2, s16  }
0x8e: {  	[smem:$0x3FC1] =	sst s2  }
0x8f: {  	_ = 	snop  }
0x90: {  	(tm) =	ssettm $0x1  }
0x91: {  	s17 =	sld [smem:$0x3FFB];
	_ =	sdelay $0x3  }
0x92: {  	_ =	strace s17  }
0x93: {  	s2 =	sld [smem:$0x3FFC];
	_ =	sdelay $0x3  }
0x94: {  	_ =	strace s2  }
0x95: {  	s2 =	sld [smem:$0x3FFD];
	_ =	sdelay $0x3  }
0x96: {  	_ =	strace s2  }
0x97: {  	_ =	strace $0x8FFFFFFF  }
0x98: {  	s18 =	sld [smem:$0x3FDB];
	_ =	sdelay $0x1  }
0x99: {  	s19 =	simm.s32 $_scs_section_size  }
0x9a: {  	s4 =	simm.s32 $_size__tile_overlayer_lowered;
	s5 =	simm.s32 $_tile_overlayer_lowered  }
0x9b: {  	s22 =	simm.s32 $0x1BFF;
	s21 =	sshll.u32 s5, $0x1;
	s2 =	sadd.s32 s19, s18  }
0x9c: {  	s6 =	simm.s32 $0x0;
	s20 =	sshll.u32 s4, $0x1;
	s4 =	sadd.s32 s21, s2  }
0x9d: {  	[timem:s6], [sflag:s22] =	dma.local [hbm:s4], s20  }
0x9e: {  	_ =	swait.ge [sflag:s22], s20  }
0x9f: {  	s3 =	ssub.s32 $0x0, s20;
	[sflag:s22] =	ssyncset.done $0x0  }
0xa0: {  	[sflag:s22] =	ssyncadd.s32 s3;
	_ =	sdelay $0x1  }
0xa1: {  	s23 =	simm.s32 $0x1B8B  }
0xa2: {  	_ =	swait.ge [sflag:s23], $0x1  }
0xa3: {  	[sflag:s23] =	ssyncset.done $0x0  }
0xa4: {  	s25 =	simm.s32 $0x1B8E;
	s24 =	sld [smem:$0x3FFE];
	[sflag:s23] =	ssyncadd.s32 $0xFFFFFFFF  }
0xa5: {  	s26 =	simm.s32 $execute0_lowered;
	[smem:$0x3FD2] =	sst s25  }
0xa6: {  	s4 =	sshll.u32 s26, $0x1;
	_ =	strace $0x80000046;
	[dreg:$0x1] =	wrdreg $0xFFFFFFFF  }
0xa7: {  	s28 =	simm.s32 $_size_execute0_lowered;
	s2 =	sadd.s32 s2, s4;
	[dreg:$0x0] =	wrdreg $0x0  }
0xa8: {  	s4 =	sshll.u32 s28, $0x1;
	[dreg:$0x2] =	wrdreg s2  }
0xa9: {  	[dreg:$0x3] =	wrdreg s4  }
0xaa: {  	[dreg:$0x4] =	wrdreg $0xC0  }
0xab: {  	_ =	task [dreg:s6], $0x5FFFF  }
0xac: {  	[dreg:$0x1] =	wrdreg $0xFFFFFFFF  }
0xad: {  	[dreg:$0x0] =	wrdreg $0x60  }
0xae: {  	[dreg:$0x2] =	wrdreg s24  }
0xaf: {  	[dreg:$0x3] =	wrdreg $0x9  }
0xb0: {  	_ =	task.clear_ibuf [dreg:s6], $0x4FFFF;
	_ =	strace $0x90000046  }
0xb1: {  	s29 =	simm.s32 $0x9;
	_ =	strace $0x80000048  }
0xb2: {  	_ =	swait.ge [sflag:s29], $0x1  }
0xb3: {  	[sflag:s29] =	ssyncadd.s32 $0xFFFFFFFF  }
0xb4: {  	_ =	strace $0x90000048  }
0xb5: {  	_ =	sfence  }
0xb6: {  	s30 =	sld [smem:$0x0];
	_ =	sdelay $0x2  }
0xb7: {  	s31 =	sshll.u32 s1, $0xD;
	s1 =	sshrl.u32 s1, $0x2  }
0xb8: {  	s3 =	sand.u32 $0x4000, s31;
	s1 =	sadd.s32 s1, s30  }
0xb9: {  	s0 =	sor.u32 s3, s0;
	s1 =	sshll.u32 s1, $0x11  }
0xba: {  	s0 =	sor.u32 s1, s0  }
0xbb: {  	s0 =	sadd.s32 $0x8F2B, s0  }
0xbc: {  	[sflag:s0] =	ssyncadd.remote.s32 $0x1  }
0xbd: {  	_ =	sfence.sel $0xFFFF  }
0xbe: {  	[dreg:$0x0] =	wrdreg $0xFFFFFFFF;
	(pc) =	sbr.abs _section_cstart, $3  }
0xbf: {  	[dreg:$0x1] =	wrdreg $0xFFFFFFFF  }
0xc0: {  	_ =	task.clear_ibuf [dreg:s6], $0x2FFFF;
	_ =	strace $0x9FFFFFFF  }
0xc1: {  	(tm) =	ssettm $0x7FFFFFFF  }
tec
execute0_lowered:
.L_overlay_start_1:
0x0: {  	(tag) =	ssettag $0x1  }
0x1: {  	s1 =	srdreg.scid  }
0x2: {  	s0 =	stileid.u32;
	s4 =	rddreg [dreg:$0x0];
	s2 =	simm.s32 $0x0  }
0x3: {  	s8 =	simm.s32 $0x2800;
	s3 =	sand.u32 $0x1, s1;
	s31 =	sshll.u32 s0, $0x1  }
0x4: {  	s9 =	simm.s32 $0x5000;
	s10 =	simm.s32 $0x80;
	s5 =	sor.u32 s3, s31  }
0x5: {  	s11 =	simm.s32 $0x100;
	s12 =	simm.s32 $0x0;
	s6 =	smul.u32 $0x500, s5  }
0x6: {  	s16 =	simm.s32 $0x80;
	[smem:$0x7FF] =	sst s2;
	s5 =	smul.u32 $0xA00, s5  }
0x7: {  	s1 =	rddreg [dreg:$0x1];
	s3 =	ssub.s32 $0x2, s3;
	_ =	strace $0x80000047  }
0x8: {  	s7 =	sshrl.u32 s3, $0x1;
	s6 =	sadd.s32 s6, s4;
	s5 =	sadd.s32 s5, s4  }
0x9: {  	s7 =	ssub.s32 s3, s7;
	s3 =	sadd.s32 $0x1A00, s6;
	s4 =	sadd.s32 $0xBA00, s5  }
0xa: {  	v0 =	vimm.f32 $0.0e+00;
	v1 =	vimm.f32 $1.000000000e+00;
	s5 =	sadd.s32 $0xBA10, s5;
	s6 =	smax.u32 s7, $0x1;
	s7 =	simm.s32 $0x1  }
.LBB2_1:
0xb: {  	[tilespmem:s2], [sflag:$0x1] =	stream.linear.gather [hbm4b:s3+s2], $0x2800, $0x38;
	[tilespmem:$0x7800] =	vst v63  }
0xc: {  	_ =	swait.ge [sflag:s7], $0x2800  }
0xd: {  	[sflag:s7] =	ssyncset.done $0x0  }
0xe: {  	s14 =	simm.s32 $0x2820;
	[sflag:s7] =	ssyncadd.s32 $0xFFFFD800  }
0xf: {  	[tilespmem:s14+$0xFFFFFFF0] =	vst v0  }
0x10: {  	[tilespmem:s14+$0x0] =	vst v0  }
0x11: {  	[tilespmem:s14+$0x10] =	vst v0  }
0x12: {  	s13 =	simm.s32 $0x5020;
	[tilespmem:s14+$0xFFFFFFE0] =	vst v0  }
0x13: {  	[tilespmem:s13+$0xFFFFFFF0] =	vst v0  }
0x14: {  	[tilespmem:s13+$0x0] =	vst v0  }
0x15: {  	[tilespmem:s13+$0x10] =	vst v0  }
0x16: {  	s15 =	simm.s32 $0x2860;
	s14 =	simm.s32 $0x0;
	[tilespmem:s13+$0xFFFFFFE0] =	vst v0  }
.LBB2_2:
0x17: {  	[tilespmem:s15+$0xFFFFFFF0] =	vst v0;
	s13 =	sadd.s32 $0x40, s13  }
0x18: {  	s14 =	sadd.s32 $0x4, s14;
	[tilespmem:s13+$0xFFFFFFF0] =	vst v0  }
0x19: {  	p0 =	slt.u32 s14, $0x27C;
	[tilespmem:s15+$0x0] =	vst v0  }
.Ltmp0:
0x1a: {  	[tilespmem:s13+$0x0] =	vst v0;
	(pc) =	sbr.rel @p0 .LBB2_2-.Ltmp0, $4  }
0x1b: {  	[tilespmem:s15+$0x10] =	vst v0  }
0x1c: {  	[tilespmem:s13+$0x10] =	vst v0  }
0x1d: {  	[tilespmem:s15+$0xFFFFFFE0] =	vst v0  }
0x1e: {  	s15 =	sadd.s32 $0x40, s15;
	[tilespmem:s13+$0xFFFFFFE0] =	vst v0  }
0x1f: {  	v2 =	vld [tilespmem:s16+$0x0];
	_ =	sdelay $0x4  }
0x20: {  	v3 =	vand.u32 $0xFFFF, v2  }
0x21: {  	v4 =	vld [tilespmem:s16+$0xFFFFFF80];
	v2 =	vshrl.u32 v2, $0x10;
	_ =	sdelay $0x3  }
0x22: {  	[tilespmem:v3+s8+$0x0] =	vst.idx.add.f32.msk $0xffff, v1  }
0x23: {  	v3 =	vand.u32 $0xFFFF, v4;
	[tilespmem:v2+s9+$0x0] =	vst.idx.add.f32.msk $0xffff, v1  }
0x24: {  	v2 =	vshrl.u32 v4, $0x10;
	v4 =	vld [tilespmem:s16+$0x10];
	_ =	sdelay $0x3  }
0x25: {  	[tilespmem:v3+s8+$0x0] =	vst.idx.add.f32.msk $0xffff, v1  }
0x26: {  	[tilespmem:v2+s9+$0x0] =	vst.idx.add.f32.msk $0xffff, v1;
	v2 =	vand.u32 $0xFFFF, v4  }
0x27: {  	v3 =	vld [tilespmem:s16+$0xFFFFFF90];
	v4 =	vshrl.u32 v4, $0x10;
	_ =	sdelay $0x3  }
0x28: {  	[tilespmem:v2+s8+$0x0] =	vst.idx.add.f32.msk $0xffff, v1  }
0x29: {  	v2 =	vand.u32 $0xFFFF, v3;
	[tilespmem:v4+s9+$0x0] =	vst.idx.add.f32.msk $0xffff, v1  }
0x2a: {  	v3 =	vshrl.u32 v3, $0x10;
	v4 =	vld [tilespmem:s16+$0x20];
	_ =	sdelay $0x3  }
0x2b: {  	[tilespmem:v2+s8+$0x0] =	vst.idx.add.f32.msk $0xffff, v1  }
0x2c: {  	[tilespmem:v3+s9+$0x0] =	vst.idx.add.f32.msk $0xffff, v1;
	v2 =	vand.u32 $0xFFFF, v4  }
0x2d: {  	v3 =	vld [tilespmem:s16+$0xFFFFFFA0];
	v4 =	vshrl.u32 v4, $0x10;
	_ =	sdelay $0x3  }
0x2e: {  	[tilespmem:v2+s8+$0x0] =	vst.idx.add.f32.msk $0xffff, v1  }
0x2f: {  	v2 =	vand.u32 $0xFFFF, v3;
	[tilespmem:v4+s9+$0x0] =	vst.idx.add.f32.msk $0xffff, v1  }
0x30: {  	v3 =	vshrl.u32 v3, $0x10;
	v4 =	vld [tilespmem:s16+$0x30];
	_ =	sdelay $0x3  }
0x31: {  	[tilespmem:v2+s8+$0x0] =	vst.idx.add.f32.msk $0xffff, v1  }
0x32: {  	[tilespmem:v3+s9+$0x0] =	vst.idx.add.f32.msk $0xffff, v1;
	v2 =	vand.u32 $0xFFFF, v4  }
0x33: {  	v3 =	vld [tilespmem:s16+$0xFFFFFFB0];
	v4 =	vshrl.u32 v4, $0x10;
	_ =	sdelay $0x1  }
0x34: {  	s13 =	simm.s32 $0x180  }
0x35: {  	v5 =	vld [tilespmem:s13+$0x0]  }
0x36: {  	[tilespmem:v2+s8+$0x0] =	vst.idx.add.f32.msk $0xffff, v1  }
0x37: {  	v2 =	vand.u32 $0xFFFF, v3;
	[tilespmem:v4+s9+$0x0] =	vst.idx.add.f32.msk $0xffff, v1  }
0x38: {  	v3 =	vshrl.u32 v3, $0x10;
	v4 =	vld [tilespmem:s16+$0x40];
	_ =	sdelay $0x1  }
0x39: {  	v6 =	vand.u32 $0xFFFF, v5  }
0x3a: {  	v7 =	vld [tilespmem:s13+$0xFFFFFF80];
	v5 =	vshrl.u32 v5, $0x10  }
0x3b: {  	[tilespmem:v2+s8+$0x0] =	vst.idx.add.f32.msk $0xffff, v1  }
0x3c: {  	[tilespmem:v3+s9+$0x0] =	vst.idx.add.f32.msk $0xffff, v1;
	v2 =	vand.u32 $0xFFFF, v4  }
0x3d: {  	v3 =	vld [tilespmem:s16+$0xFFFFFFC0];
	v4 =	vshrl.u32 v4, $0x10  }
0x3e: {  	[tilespmem:v6+s8+$0x0] =	vst.idx.add.f32.msk $0xffff, v1  }
0x3f: {  	v6 =	vand.u32 $0xFFFF, v7;
	[tilespmem:v5+s9+$0x0] =	vst.idx.add.f32.msk $0xffff, v1  }
0x40: {  	v5 =	vshrl.u32 v7, $0x10;
	v7 =	vld [tilespmem:s13+$0x10]  }
0x41: {  	[tilespmem:v2+s8+$0x0] =	vst.idx.add.f32.msk $0xffff, v1  }
0x42: {  	v2 =	vand.u32 $0xFFFF, v3;
	[tilespmem:v4+s9+$0x0] =	vst.idx.add.f32.msk $0xffff, v1  }
0x43: {  	v3 =	vshrl.u32 v3, $0x10;
	v4 =	vld [tilespmem:s16+$0x50]  }
0x44: {  	[tilespmem:v6+s8+$0x0] =	vst.idx.add.f32.msk $0xffff, v1  }
0x45: {  	[tilespmem:v5+s9+$0x0] =	vst.idx.add.f32.msk $0xffff, v1;
	v5 =	vand.u32 $0xFFFF, v7  }
0x46: {  	v6 =	vld [tilespmem:s13+$0xFFFFFF90];
	v7 =	vshrl.u32 v7, $0x10  }
0x47: {  	[tilespmem:v2+s8+$0x0] =	vst.idx.add.f32.msk $0xffff, v1  }
0x48: {  	[tilespmem:v3+s9+$0x0] =	vst.idx.add.f32.msk $0xffff, v1;
	v2 =	vand.u32 $0xFFFF, v4  }
0x49: {  	v3 =	vld [tilespmem:s16+$0xFFFFFFD0];
	v4 =	vshrl.u32 v4, $0x10  }
0x4a: {  	[tilespmem:v5+s8+$0x0] =	vst.idx.add.f32.msk $0xffff, v1  }
0x4b: {  	v5 =	vand.u32 $0xFFFF, v6;
	[tilespmem:v7+s9+$0x0] =	vst.idx.add.f32.msk $0xffff, v1  }
0x4c: {  	v6 =	vshrl.u32 v6, $0x10;
	v7 =	vld [tilespmem:s13+$0x20]  }
0x4d: {  	[tilespmem:v2+s8+$0x0] =	vst.idx.add.f32.msk $0xffff, v1  }
0x4e: {  	v2 =	vand.u32 $0xFFFF, v3;
	[tilespmem:v4+s9+$0x0] =	vst.idx.add.f32.msk $0xffff, v1  }
0x4f: {  	v3 =	vshrl.u32 v3, $0x10;
	v4 =	vld [tilespmem:s16+$0x60]  }
0x50: {  	[tilespmem:v5+s8+$0x0] =	vst.idx.add.f32.msk $0xffff, v1  }
0x51: {  	[tilespmem:v6+s9+$0x0] =	vst.idx.add.f32.msk $0xffff, v1;
	v5 =	vand.u32 $0xFFFF, v7  }
0x52: {  	v6 =	vld [tilespmem:s13+$0xFFFFFFA0];
	v7 =	vshrl.u32 v7, $0x10  }
0x53: {  	[tilespmem:v2+s8+$0x0] =	vst.idx.add.f32.msk $0xffff, v1  }
0x54: {  	[tilespmem:v3+s9+$0x0] =	vst.idx.add.f32.msk $0xffff, v1;
	v2 =	vand.u32 $0xFFFF, v4  }
0x55: {  	v3 =	vld [tilespmem:s16+$0xFFFFFFE0];
	v4 =	vshrl.u32 v4, $0x10  }
0x56: {  	[tilespmem:v5+s8+$0x0] =	vst.idx.add.f32.msk $0xffff, v1  }
0x57: {  	v5 =	vand.u32 $0xFFFF, v6;
	[tilespmem:v7+s9+$0x0] =	vst.idx.add.f32.msk $0xffff, v1  }
0x58: {  	v6 =	vshrl.u32 v6, $0x10;
	v7 =	vld [tilespmem:s13+$0x30]  }
0x59: {  	[tilespmem:v2+s8+$0x0] =	vst.idx.add.f32.msk $0xffff, v1  }
0x5a: {  	v2 =	vand.u32 $0xFFFF, v3;
	[tilespmem:v4+s9+$0x0] =	vst.idx.add.f32.msk $0xffff, v1  }
0x5b: {  	v3 =	vshrl.u32 v3, $0x10;
	v8 =	vld [tilespmem:s16+$0x70]  }
0x5c: {  	[tilespmem:v5+s8+$0x0] =	vst.idx.add.f32.msk $0xffff, v1  }
0x5d: {  	[tilespmem:v6+s9+$0x0] =	vst.idx.add.f32.msk $0xffff, v1  }
0x5e: {  	v5 =	vld [tilespmem:s13+$0xFFFFFFB0];
	v6 =	vand.u32 $0xFFFF, v7  }
0x5f: {  	v7 =	vshrl.u32 v7, $0x10;
	[tilespmem:v2+s8+$0x0] =	vst.idx.add.f32.msk $0xffff, v1  }
0x60: {  	[tilespmem:v3+s9+$0x0] =	vst.idx.add.f32.msk $0xffff, v1;
	v2 =	vand.u32 $0xFFFF, v8  }
0x61: {  	s14 =	simm.s32 $0x2;
	s15 =	simm.s32 $0x280;
	v4 =	vld [tilespmem:s16+$0xFFFFFFF0];
	v3 =	vshrl.u32 v8, $0x10  }
.LBB2_4:
0x62: {  	v8 =	vld [tilespmem:s15+$0x0]  }
0x63: {  	v9 =	vshrl.u32 v5, $0x10;
	v5 =	vand.u32 $0xFFFF, v5;
	[tilespmem:v6+s8+$0x0] =	vst.idx.add.f32.msk $0xffff, v1  }
0x64: {  	[tilespmem:v7+s9+$0x0] =	vst.idx.add.f32.msk $0xffff, v1  }
0x65: {  	[tilespmem:v2+s8+$0x0] =	vst.idx.add.f32.msk $0xffff, v1  }
0x66: {  	v2 =	vshrl.u32 v4, $0x10;
	v4 =	vand.u32 $0xFFFF, v4;
	[tilespmem:v3+s9+$0x0] =	vst.idx.add.f32.msk $0xffff, v1  }
0x67: {  	v3 =	vld [tilespmem:s13+$0x40]  }
0x68: {  	v6 =	vld [tilespmem:s15+$0xFFFFFF80]  }
0x69: {  	v7 =	vand.u32 $0xFFFF, v8;
	[tilespmem:v5+s8+$0x0] =	vst.idx.add.f32.msk $0xffff, v1  }
0x6a: {  	v5 =	vshrl.u32 v8, $0x10;
	[tilespmem:v9+s9+$0x0] =	vst.idx.add.f32.msk $0xffff, v1  }
0x6b: {  	v8 =	vld [tilespmem:s13+$0xFFFFFFC0]  }
0x6c: {  	v9 =	vand.u32 $0xFFFF, v3;
	[tilespmem:v4+s8+$0x0] =	vst.idx.add.f32.msk $0xffff, v1  }
0x6d: {  	v3 =	vshrl.u32 v3, $0x10;
	v4 =	vshrl.u32 v6, $0x10;
	v6 =	vand.u32 $0xFFFF, v6;
	[tilespmem:v2+s9+$0x0] =	vst.idx.add.f32.msk $0xffff, v1  }
0x6e: {  	[tilespmem:v7+s8+$0x0] =	vst.idx.add.f32.msk $0xffff, v1  }
0x6f: {  	s14 =	sadd.s32 $0x2, s14;
	[tilespmem:v5+s9+$0x0] =	vst.idx.add.f32.msk $0xffff, v1  }
0x70: {  	p0 =	slt.u32 s14, $0x4E;
	v2 =	vld [tilespmem:s15+$0x10];
	v5 =	vshrl.u32 v8, $0x10;
	v7 =	vand.u32 $0xFFFF, v8  }
0x71: {  	[tilespmem:v9+s8+$0x0] =	vst.idx.add.f32.msk $0xffff, v1  }
0x72: {  	[tilespmem:v3+s9+$0x0] =	vst.idx.add.f32.msk $0xffff, v1  }
0x73: {  	v3 =	vld [tilespmem:s13+$0x50]  }
0x74: {  	[tilespmem:v6+s8+$0x0] =	vst.idx.add.f32.msk $0xffff, v1  }
0x75: {  	[tilespmem:v4+s9+$0x0] =	vst.idx.add.f32.msk $0xffff, v1;
	v4 =	vand.u32 $0xFFFF, v2  }
0x76: {  	v2 =	vshrl.u32 v2, $0x10;
	v6 =	vld [tilespmem:s15+$0xFFFFFF90]  }
0x77: {  	[tilespmem:v7+s8+$0x0] =	vst.idx.add.f32.msk $0xffff, v1  }
0x78: {  	[tilespmem:v5+s9+$0x0] =	vst.idx.add.f32.msk $0xffff, v1;
	v5 =	vand.u32 $0xFFFF, v3  }
0x79: {  	v3 =	vshrl.u32 v3, $0x10;
	v7 =	vld [tilespmem:s13+$0xFFFFFFD0]  }
0x7a: {  	[tilespmem:v4+s8+$0x0] =	vst.idx.add.f32.msk $0xffff, v1  }
0x7b: {  	v4 =	vshrl.u32 v6, $0x10;
	v6 =	vand.u32 $0xFFFF, v6;
	[tilespmem:v2+s9+$0x0] =	vst.idx.add.f32.msk $0xffff, v1  }
0x7c: {  	v2 =	vld [tilespmem:s15+$0x20]  }
0x7d: {  	[tilespmem:v5+s8+$0x0] =	vst.idx.add.f32.msk $0xffff, v1  }
0x7e: {  	v5 =	vshrl.u32 v7, $0x10;
	v7 =	vand.u32 $0xFFFF, v7;
	[tilespmem:v3+s9+$0x0] =	vst.idx.add.f32.msk $0xffff, v1  }
0x7f: {  	v3 =	vld [tilespmem:s13+$0x60]  }
0x80: {  	[tilespmem:v6+s8+$0x0] =	vst.idx.add.f32.msk $0xffff, v1  }
0x81: {  	[tilespmem:v4+s9+$0x0] =	vst.idx.add.f32.msk $0xffff, v1;
	v4 =	vand.u32 $0xFFFF, v2  }
0x82: {  	v2 =	vshrl.u32 v2, $0x10;
	v6 =	vld [tilespmem:s15+$0xFFFFFFA0]  }
0x83: {  	[tilespmem:v7+s8+$0x0] =	vst.idx.add.f32.msk $0xffff, v1  }
0x84: {  	[tilespmem:v5+s9+$0x0] =	vst.idx.add.f32.msk $0xffff, v1;
	v5 =	vand.u32 $0xFFFF, v3  }
0x85: {  	v3 =	vshrl.u32 v3, $0x10;
	v7 =	vld [tilespmem:s13+$0xFFFFFFE0]  }
0x86: {  	[tilespmem:v4+s8+$0x0] =	vst.idx.add.f32.msk $0xffff, v1  }
0x87: {  	v4 =	vshrl.u32 v6, $0x10;
	v6 =	vand.u32 $0xFFFF, v6;
	[tilespmem:v2+s9+$0x0] =	vst.idx.add.f32.msk $0xffff, v1  }
0x88: {  	v2 =	vld [tilespmem:s15+$0x30]  }
0x89: {  	[tilespmem:v5+s8+$0x0] =	vst.idx.add.f32.msk $0xffff, v1  }
0x8a: {  	v8 =	vshrl.u32 v7, $0x10;
	v9 =	vand.u32 $0xFFFF, v7;
	[tilespmem:v3+s9+$0x0] =	vst.idx.add.f32.msk $0xffff, v1  }
0x8b: {  	v3 =	vld [tilespmem:s13+$0x70]  }
0x8c: {  	[tilespmem:v6+s8+$0x0] =	vst.idx.add.f32.msk $0xffff, v1  }
.Ltmp1:
0x8d: {  	[tilespmem:v4+s9+$0x0] =	vst.idx.add.f32.msk $0xffff, v1;
	(pc) =	sbr.rel @p0 .LBB2_4-.Ltmp1, $4  }
0x8e: {  	v6 =	vand.u32 $0xFFFF, v2;
	v5 =	vld [tilespmem:s15+$0xFFFFFFB0]  }
0x8f: {  	v7 =	vshrl.u32 v2, $0x10;
	[tilespmem:v9+s8+$0x0] =	vst.idx.add.f32.msk $0xffff, v1  }
0x90: {  	[tilespmem:v8+s9+$0x0] =	vst.idx.add.f32.msk $0xffff, v1;
	v2 =	vand.u32 $0xFFFF, v3  }
0x91: {  	v3 =	vshrl.u32 v3, $0x10;
	v4 =	vld [tilespmem:s13+$0xFFFFFFF0];
	s13 =	smov.u32 s15;
	s15 =	sadd.s32 $0x100, s15  }
0x92: {  	_ =	sdelay $0x1  }
0x93: {  	v8 =	vand.u32 $0xFFFF, v5  }
0x94: {  	v54 =	vshrl.u32 v5, $0x10  }
0x95: {  	[tilespmem:v6+s8+$0x0] =	vst.idx.add.f32.msk $0xffff, v1  }
0x96: {  	[tilespmem:v7+s9+$0x0] =	vst.idx.add.f32.msk $0xffff, v1  }
0x97: {  	v6 =	vld [tilespmem:s13+$0x40]  }
0x98: {  	[tilespmem:v8+s8+$0x0] =	vst.idx.add.f32.msk $0xffff, v1  }
0x99: {  	[tilespmem:v54+s9+$0x0] =	vst.idx.add.f32.msk $0xffff, v1  }
0x9a: {  	v5 =	vld [tilespmem:s13+$0xFFFFFFC0];
	_ =	sdelay $0x1  }
0x9b: {  	v55 =	vand.u32 $0xFFFF, v6  }
0x9c: {  	v6 =	vshrl.u32 v6, $0x10;
	_ =	sdelay $0x1  }
0x9d: {  	v56 =	vand.u32 $0xFFFF, v5  }
0x9e: {  	v5 =	vshrl.u32 v5, $0x10  }
0x9f: {  	[tilespmem:v55+s8+$0x0] =	vst.idx.add.f32.msk $0xffff, v1  }
0xa0: {  	[tilespmem:v6+s9+$0x0] =	vst.idx.add.f32.msk $0xffff, v1  }
0xa1: {  	v6 =	vld [tilespmem:s13+$0x50]  }
0xa2: {  	[tilespmem:v56+s8+$0x0] =	vst.idx.add.f32.msk $0xffff, v1  }
0xa3: {  	[tilespmem:v5+s9+$0x0] =	vst.idx.add.f32.msk $0xffff, v1  }
0xa4: {  	v5 =	vld [tilespmem:s13+$0xFFFFFFD0];
	_ =	sdelay $0x1  }
0xa5: {  	v57 =	vand.u32 $0xFFFF, v6  }
0xa6: {  	v6 =	vshrl.u32 v6, $0x10;
	_ =	sdelay $0x1  }
0xa7: {  	v58 =	vand.u32 $0xFFFF, v5  }
0xa8: {  	v5 =	vshrl.u32 v5, $0x10  }
0xa9: {  	[tilespmem:v57+s8+$0x0] =	vst.idx.add.f32.msk $0xffff, v1  }
0xaa: {  	[tilespmem:v6+s9+$0x0] =	vst.idx.add.f32.msk $0xffff, v1  }
0xab: {  	v6 =	vld [tilespmem:s13+$0x60]  }
0xac: {  	[tilespmem:v58+s8+$0x0] =	vst.idx.add.f32.msk $0xffff, v1  }
0xad: {  	[tilespmem:v5+s9+$0x0] =	vst.idx.add.f32.msk $0xffff, v1  }
0xae: {  	v5 =	vld [tilespmem:s13+$0xFFFFFFE0];
	_ =	sdelay $0x1  }
0xaf: {  	v59 =	vand.u32 $0xFFFF, v6  }
0xb0: {  	v6 =	vshrl.u32 v6, $0x10;
	_ =	sdelay $0x1  }
0xb1: {  	v60 =	vand.u32 $0xFFFF, v5  }
0xb2: {  	v5 =	vshrl.u32 v5, $0x10  }
0xb3: {  	[tilespmem:v59+s8+$0x0] =	vst.idx.add.f32.msk $0xffff, v1  }
0xb4: {  	[tilespmem:v6+s9+$0x0] =	vst.idx.add.f32.msk $0xffff, v1  }
0xb5: {  	v6 =	vld [tilespmem:s13+$0x70]  }
0xb6: {  	[tilespmem:v60+s8+$0x0] =	vst.idx.add.f32.msk $0xffff, v1  }
0xb7: {  	[tilespmem:v5+s9+$0x0] =	vst.idx.add.f32.msk $0xffff, v1  }
0xb8: {  	v5 =	vld [tilespmem:s13+$0xFFFFFFF0]  }
0xb9: {  	v61 =	vand.u32 $0xFFFF, v4  }
0xba: {  	v62 =	vshrl.u32 v4, $0x10  }
0xbb: {  	v63 =	vand.u32 $0xFFFF, v6  }
0xbc: {  	[tilespmem:v2+s8+$0x0] =	vst.idx.add.f32.msk $0xffff, v1;
	v2 =	vshrl.u32 v6, $0x10  }
0xbd: {  	[tilespmem:v3+s9+$0x0] =	vst.idx.add.f32.msk $0xffff, v1;
	v3 =	vand.u32 $0xFFFF, v5  }
0xbe: {  	[tilespmem:v61+s8+$0x0] =	vst.idx.add.f32.msk $0xffff, v1;
	v5 =	vshrl.u32 v5, $0x10  }
0xbf: {  	[tilespmem:v62+s9+$0x0] =	vst.idx.add.f32.msk $0xffff, v1  }
0xc0: {  	[tilespmem:v63+s8+$0x0] =	vst.idx.add.f32.msk $0xffff, v1  }
0xc1: {  	[tilespmem:v2+s9+$0x0] =	vst.idx.add.f32.msk $0xffff, v1  }
0xc2: {  	[tilespmem:v3+s8+$0x0] =	vst.idx.add.f32.msk $0xffff, v1  }
0xc3: {  	[tilespmem:v5+s9+$0x0] =	vst.idx.add.f32.msk $0xffff, v1  }
0xc4: {  	[hbm4b:s4+s10] =	stream.strided.scatter [tilespmem:s8], [sflag:$0x1], $0x2800, s11, s10, $0x38;
	[tilespmem:$0x7800] =	vst v63  }
0xc5: {  	s12 =	sadd.s32 $0x1, s12;
	_ =	swait.ge [sflag:s7], $0x2800  }
0xc6: {  	p0 =	sne.s32 s12, s6;
	[sflag:s7] =	ssyncset.done $0x0  }
.Ltmp2:
0xc7: {  	[sflag:s7] =	ssyncadd.s32 $0xFFFFD800;
	(pc) =	sbr.rel @p0 .LBB2_1-.Ltmp2, $4  }
0xc8: {  	[hbm4b:s5+s10] =	stream.strided.scatter [tilespmem:s9], [sflag:$0x1], $0x2800, s11, s10, $0x38;
	[tilespmem:$0x7800] =	vst v63  }
0xc9: {  	_ =	swait.ge [sflag:s7], $0x2800  }
0xca: {  	[sflag:s7] =	ssyncset.done $0x0  }
0xcb: {  	[sflag:s7] =	ssyncadd.s32 $0xFFFFD800  }
0xcc: {  	_ =	sfence.sel $0x180000  }
0xcd: {  	[bflag:$0x0] =	sbarrier.arrive $0xFFFF  }
0xce: {  	p0 =	sne.s32 s0, $0x0;
	_ =	strace $0x90000047  }
0xcf: {  	s0 =	sadd.s32 @!p0 $0x100000, s1;
	[bflag:$0x2] =	sbarrier.arrive $0xFFFF  }
0xd0: {  	[sflag:s0] =	ssyncadd.tile.s32 @!p0 $0x1;
	_ =	shalt  }
.Lfunc_end2:
_tile_overlayer_lowered:
.L_overlay_start_2:
0xd1: {  	(tag) =	ssettag $0x2  }
0xd2: {  	s0 =	rddreg [dreg:$0x0];
	s2 =	stileid.u32  }
0xd3: {  	s1 =	rddreg [dreg:$0x1];
	p0 =	sne.s32 s2, $0x0  }
0xd4: {  	s3 =	rddreg [dreg:$0x2];
	[bflag:$0x3] =	sbarrier.arrive $0xFFFF;
	s2 =	simm.s32 @!p0 $0x1C01  }
0xd5: {  	[timem:s3], [sflag:s2] =	dma.local @!p0 [hbm:s0], s1  }
0xd6: {  	s0 =	simm.s32 @!p0 $0x1  }
0xd7: {  	_ =	swait.ge @!p0 [sflag:s0], s1  }
0xd8: {  	s1 =	ssub.s32 @!p0 $0x0, s1;
	[sflag:s0] =	ssyncset.done @!p0 $0x0  }
0xd9: {  	[sflag:s0] =	ssyncadd.s32 @!p0 s1  }
0xda: {  	[bflag:$0x3] =	sbarrier.arrive $0xFFFF  }
0xdb: {  	_ =	shalt  }

</sc_bundles>
